<compile_context>
chip_gen: v7x
topology: tpu7x:2x2x1
jax: 0.10.2.dev20260603
libtpu: 0.0.44.dev20260713+nightly
codegen_flags: <defaults>
</compile_context>

<pallas_src>
import functools

import jax
import jax.numpy as jnp
from jax import lax
from jax.experimental import pallas as pl
from jax.experimental.pallas import tpu as pltpu
from jax.experimental.pallas import tpu_sc as plsc

N = 10000
E = 320000
D = 128
H = 128
L = 4
C = 2
G = 64

NC, NS = 2, 16
NT = NC * NS
CW = 256
GC = 40
GC2 = GC // 2
EPT = GC * CW
ZR = 632
NPAD = ZR * NS
RB = 1000


def _sc_scatter_body(m_hbm, src_hbm, dst_hbm, zeros_hbm, out_hbm,
                     src_v, dst_v, gbuf_a, acc, sem_a):
    c = lax.axis_index("c")
    s = lax.axis_index("s")
    w = c * NS + s
    pltpu.sync_copy(src_hbm.at[w], src_v)
    pltpu.sync_copy(dst_hbm.at[w, pl.ds(0, GC2 * CW)], dst_v)
    pltpu.sync_copy(zeros_hbm, acc.at[pl.ds(s * ZR, ZR)])
    plsc.subcore_barrier()

    for phase in range(2):
        if phase == 1:
            pltpu.sync_copy(dst_hbm.at[w, pl.ds(GC2 * CW, GC2 * CW)], dst_v)
        base = phase * GC2

        def body(i, carry):
            j = base + i
            pltpu.sync_copy(m_hbm.at[src_v.at[pl.ds(j * CW, CW)]], gbuf_a)
            pltpu.sync_copy(gbuf_a, acc.at[dst_v.at[pl.ds(i * CW, CW)]],
                            add=True)
            return carry

        lax.fori_loop(0, GC2, body, 0)
    plsc.subcore_barrier()
    pltpu.sync_copy(acc.at[pl.ds(s * ZR, ZR)], out_hbm.at[c, pl.ds(s * ZR, ZR)])


@functools.cache
def _get_sc_scatter():
    return pl.kernel(
        _sc_scatter_body,
        out_type=jax.ShapeDtypeStruct((NC, NPAD, H), jnp.float32),
        mesh=plsc.VectorSubcoreMesh(core_axis_name="c", subcore_axis_name="s",
                                    num_cores=NC, num_subcores=NS),
        scratch_types=[
            pltpu.VMEM((EPT,), jnp.int32),
            pltpu.VMEM((GC2 * CW,), jnp.int32),
            pltpu.VMEM((CW, H), jnp.float32),
            pltpu.VMEM_SHARED((NPAD, H), jnp.float32),
            pltpu.SemaphoreType.DMA,
        ],
    )


def _tc_init_body(x_ref, w0_ref, b0_ref, wg0_ref, h_ref, m_ref):
    h = jnp.maximum(
        jnp.dot(x_ref[...], w0_ref[...], preferred_element_type=jnp.float32)
        + b0_ref[...], 0.0)
    h_ref[...] = h
    m_ref[...] = jnp.dot(h, wg0_ref[...], preferred_element_type=jnp.float32)


def _gru_compute(p_ref, h_ref, wihT_ref, whhT_ref, bih_ref, bhh_ref):
    agg = p_ref[0] + p_ref[1]
    gi = jnp.dot(agg, wihT_ref[...], preferred_element_type=jnp.float32) + bih_ref[...]
    gh = jnp.dot(h_ref[...], whhT_ref[...], preferred_element_type=jnp.float32) + bhh_ref[...]
    h0 = h_ref[...]
    r = jax.nn.sigmoid(gi[:, :H] + gh[:, :H])
    z = jax.nn.sigmoid(gi[:, H:2 * H] + gh[:, H:2 * H])
    n_ = jnp.tanh(gi[:, 2 * H:] + r * gh[:, 2 * H:])
    return (1.0 - z) * n_ + z * h0


def _tc_gru_body(p_ref, h_ref, wihT_ref, whhT_ref, bih_ref, bhh_ref, wgn_ref,
                 h_out, m_out):
    hn = _gru_compute(p_ref, h_ref, wihT_ref, whhT_ref, bih_ref, bhh_ref)
    h_out[...] = hn
    m_out[...] = jnp.dot(hn, wgn_ref[...], preferred_element_type=jnp.float32)


def _tc_tail_body(p_ref, h_ref, wihT_ref, whhT_ref, bih_ref, bhh_ref,
                  bat_ref, w1_ref, b1_ref, w2_ref, b2_ref, out_ref,
                  pool_acc, cnt_acc):
    i = pl.program_id(0)
    hn = _gru_compute(p_ref, h_ref, wihT_ref, whhT_ref, bih_ref, bhh_ref)
    bat = bat_ref[0]
    gids = lax.broadcasted_iota(jnp.int32, (G, RB), 0)
    maskf = jnp.where(gids == bat, 1.0, 0.0)
    part = jnp.dot(maskf, hn, preferred_element_type=jnp.float32)
    cnt = jnp.sum(maskf, axis=1, keepdims=True)

    @pl.when(i == 0)
    def _init():
        pool_acc[...] = jnp.zeros_like(pool_acc)
        cnt_acc[...] = jnp.zeros_like(cnt_acc)

    pool_acc[...] += part
    cnt_acc[...] = cnt_acc[...] + cnt

    @pl.when(i == _GRID - 1)
    def _head():
        pooled = pool_acc[...] / jnp.maximum(cnt_acc[...], 1.0)
        a = jnp.maximum(
            jnp.dot(pooled, w1_ref[...], preferred_element_type=jnp.float32)
            + b1_ref[...], 0.0)
        logits = jnp.dot(a, w2_ref[...],
                         preferred_element_type=jnp.float32) + b2_ref[...]
        mx = jnp.max(logits, axis=1, keepdims=True)
        lse = mx + jnp.log(jnp.sum(jnp.exp(logits - mx), axis=1,
                                   keepdims=True))
        out_ref[...] = logits - lse


_GRID = N // RB


def _row_spec(rows):
    return pl.BlockSpec((rows, 128), lambda i: (i, 0))


def _full_spec(shape):
    return pl.BlockSpec(shape, lambda i: (0,) * len(shape))


_tc_init = pl.pallas_call(
    _tc_init_body,
    grid=(_GRID,),
    in_specs=[_row_spec(RB), _full_spec((D, H)), _full_spec((1, H)),
              _full_spec((H, H))],
    out_specs=[_row_spec(RB), _row_spec(RB)],
    out_shape=[jax.ShapeDtypeStruct((N, H), jnp.float32),
               jax.ShapeDtypeStruct((N, H), jnp.float32)],
)

_p_spec = pl.BlockSpec((NC, RB, 128), lambda i: (0, i, 0))
_gru_common_specs = [_p_spec, _row_spec(RB), _full_spec((H, 3 * H)),
                     _full_spec((H, 3 * H)), _full_spec((1, 3 * H)),
                     _full_spec((1, 3 * H))]

_tc_gru = pl.pallas_call(
    _tc_gru_body,
    grid=(_GRID,),
    in_specs=_gru_common_specs + [_full_spec((H, H))],
    out_specs=[_row_spec(RB), _row_spec(RB)],
    out_shape=[jax.ShapeDtypeStruct((N, H), jnp.float32),
               jax.ShapeDtypeStruct((N, H), jnp.float32)],
)

_tc_tail = pl.pallas_call(
    _tc_tail_body,
    grid=(_GRID,),
    in_specs=_gru_common_specs + [
        pl.BlockSpec((1, 1, RB), lambda i: (i, 0, 0)),
        _full_spec((H, H)), _full_spec((1, H)),
        _full_spec((H, H)), _full_spec((1, H)),
    ],
    out_specs=[pl.BlockSpec((G, H), lambda i: (0, 0))],
    out_shape=[jax.ShapeDtypeStruct((G, H), jnp.float32)],
    scratch_shapes=[pltpu.VMEM((G, H), jnp.float32),
                    pltpu.VMEM((G, 1), jnp.float32)],
)


def kernel(x, edge_index, batch, W0, b0, Wg, w_ih, w_hh, b_ih, b_hh, W1, b1,
           W2, b2):
    f32 = jnp.float32
    src = edge_index[0]
    dst = edge_index[1]
    pad = NT * EPT - E
    pad_idx = jnp.arange(pad, dtype=jnp.int32)
    src_t = jnp.concatenate([src, pad_idx % N]).reshape(NT, EPT)
    dst_t = jnp.concatenate([dst, N + pad_idx % (NPAD - N)]).reshape(NT, EPT)
    zeros_zr = jnp.zeros((ZR, H), f32)

    b0r = b0.reshape(1, H)
    bihr = b_ih.reshape(1, 3 * H)
    bhhr = b_hh.reshape(1, 3 * H)
    wihT = w_ih.T
    whhT = w_hh.T
    b1r = b1.reshape(1, H)
    w2p = jnp.zeros((H, H), f32).at[:, :C].set(W2)
    b2p = jnp.full((1, H), -1e30, f32).at[0, :C].set(b2)
    batr = batch.reshape(_GRID, 1, RB)

    h, m = _tc_init(x, W0, b0r, Wg[0])
    for i in range(L):
        p = _get_sc_scatter()(m, src_t, dst_t, zeros_zr)
        if i + 1 < L:
            h, m = _tc_gru(p, h, wihT, whhT, bihr, bhhr, Wg[i + 1])
        else:
            (out,) = _tc_tail(p, h, wihT, whhT, bihr, bhhr, batr, W1, b1r,
                              w2p, b2p)
    return out[:, :C]

# --- scband reference (transcript-rebuilt; emitter-appended) ---
"""Pipeline reference for scband-scream-ggnn-5858335392065 (READ-ONLY COPY).

The authoritative reference and input builder live on the scoring server;
editing this copy changes nothing except your own understanding.
"""

import jax, jax.numpy as jnp
import numpy as np

N = 10000
E = 320000
D = 128
H = 128
L = 4
C = 2
G = 64


def setup_inputs(seed: int = 0) -> dict:
    key = jax.random.key(seed)
    ks = jax.random.split(key, 12)
    x = jax.random.normal(ks[0], (N, D), dtype=jnp.float32)
    edge_index = jax.random.randint(ks[1], (2, E), 0, N, dtype=jnp.int32)
    batch = jnp.sort(jax.random.randint(ks[2], (N,), 0, G, dtype=jnp.int32))
    W0 = jax.random.normal(ks[3], (D, H), dtype=jnp.float32) * 0.05
    b0 = jnp.zeros((H,), jnp.float32)
    Wg = jax.random.normal(ks[4], (L, H, H), dtype=jnp.float32) * 0.05
    w_ih = jax.random.normal(ks[5], (3 * H, H), dtype=jnp.float32) * 0.05
    w_hh = jax.random.normal(ks[6], (3 * H, H), dtype=jnp.float32) * 0.05
    b_ih = jnp.zeros((3 * H,), jnp.float32)
    b_hh = jnp.zeros((3 * H,), jnp.float32)
    W1 = jax.random.normal(ks[7], (H, H), dtype=jnp.float32) * 0.05
    b1 = jnp.zeros((H,), jnp.float32)
    W2 = jax.random.normal(ks[8], (H, C), dtype=jnp.float32) * 0.05
    b2 = jnp.zeros((C,), jnp.float32)
    return {"x": x, "edge_index": edge_index, "batch": batch, "W0": W0, "b0": b0,
            "Wg": Wg, "w_ih": w_ih, "w_hh": w_hh, "b_ih": b_ih, "b_hh": b_hh,
            "W1": W1, "b1": b1, "W2": W2, "b2": b2}


def reference(x, edge_index, batch, W0, b0, Wg, w_ih, w_hh, b_ih, b_hh, W1, b1, W2, b2):
    src = edge_index[0]
    dst = edge_index[1]
    # lin0 + relu
    h = jax.nn.relu(x @ W0 + b0)
    # GatedGraphConv: L steps of (linear per-layer, scatter-add message passing, GRU cell)
    for i in range(L):
        m = h @ Wg[i]
        msg = jnp.take(m, src, axis=0)
        agg = jax.ops.segment_sum(msg, dst, num_segments=N)
        gi = agg @ w_ih.T + b_ih
        gh = h @ w_hh.T + b_hh
        r = jax.nn.sigmoid(gi[:, :H] + gh[:, :H])
        z = jax.nn.sigmoid(gi[:, H:2 * H] + gh[:, H:2 * H])
        n = jnp.tanh(gi[:, 2 * H:] + r * gh[:, 2 * H:])
        h = (1.0 - z) * n + z * h
    # global_mean_pool over batch vector
    sums = jax.ops.segment_sum(h, batch, num_segments=G)
    counts = jax.ops.segment_sum(jnp.ones((N,), jnp.float32), batch, num_segments=G)
    pooled = sums / jnp.maximum(counts, 1.0)[:, None]
    # dropout is identity in eval mode
    out = jax.nn.relu(pooled @ W1 + b1) @ W2 + b2
    return jax.nn.log_softmax(out, axis=1)

if __name__ == "__main__":
    import jax
    _d = setup_inputs()
    print(jax.jit(kernel)(*tuple(_d.values())))

</pallas_src>

<mosaic_0001>
#map = affine_map<(d0, d1) -> (0, 0)>
#map1 = affine_map<(d0, d1) -> (0, 0, 0)>
module attributes {stable_mosaic.version = 14 : i64} {
  func.func @_sc_scatter_body(%arg0: i32, %arg1: i32, %arg2: memref<10000x128xf32, #tpu.memory_space<hbm>>, %arg3: memref<32x10240xi32, #tpu.memory_space<hbm>>, %arg4: memref<32x10240xi32, #tpu.memory_space<hbm>>, %arg5: memref<632x128xf32, #tpu.memory_space<hbm>>, %arg6: memref<2x10112x128xf32, #tpu.memory_space<hbm>>, %arg7: memref<10240xi32, #tpu.memory_space<vmem>>, %arg8: memref<5120xi32, #tpu.memory_space<vmem>>, %arg9: memref<256x128xf32, #tpu.memory_space<vmem>>, %arg10: memref<10112x128xf32, #tpu.memory_space<vmem_shared>>, %arg11: memref<!tpu.dma_semaphore, #tpu.memory_space<semaphore_mem>>) attributes {dimension_semantics = [#tpu.dimension_semantics<core_parallel>, #tpu.dimension_semantics<subcore_parallel>], iteration_bounds = array<i64: 2, 16>, scalar_prefetch = 0 : i64, scratch_operands = 5 : i64, tpu.core_type = #tpu.core_type<sc_vector_subcore>, window_params = [{transform_indices = #map}, {transform_indices = #map}, {transform_indices = #map}, {transform_indices = #map}, {transform_indices = #map1}]} {
    %mul3A = arith.constant 16 : i32
    %mul3A_0 = arith.muli %arg0, %mul3A : i32
    %add3A = arith.addi %mul3A_0, %arg1 : i32
    "tpu.region"() ({
      %run_scoped3A = tpu.sem_alloc : memref<!tpu.dma_semaphore, #tpu.memory_space<semaphore_mem>>
      %dma_start3A = arith.constant 0 : i32
      %dma_start3A_19 = tpu.memref_slice %arg3[%add3A, %dma_start3A] : memref<32x10240xi32, #tpu.memory_space<hbm>> -> memref<1x10240xi32, #tpu.memory_space<hbm>>
      %dma_start3A_20 = tpu.memref_squeeze %dma_start3A_19 : memref<1x10240xi32, #tpu.memory_space<hbm>> -> memref<10240xi32, #tpu.memory_space<hbm>>
      %dma_start3A_21 = arith.constant 0 : i32
      %dma_start3A_22 = tpu.memref_slice %arg3[%add3A, %dma_start3A_21] : memref<32x10240xi32, #tpu.memory_space<hbm>> -> memref<1x10240xi32, #tpu.memory_space<hbm>>
      %dma_start3A_23 = tpu.memref_squeeze %dma_start3A_22 : memref<1x10240xi32, #tpu.memory_space<hbm>> -> memref<10240xi32, #tpu.memory_space<hbm>>
      tpu.enqueue_dma source(%dma_start3A_23 : memref<10240xi32, #tpu.memory_space<hbm>>) target(%arg7 : memref<10240xi32, #tpu.memory_space<vmem>>) target_semaphore(%run_scoped3A : memref<!tpu.dma_semaphore, #tpu.memory_space<semaphore_mem>>)
      %dma_wait3A = arith.constant 0 : i32
      %dma_wait3A_24 = tpu.memref_slice %arg3[%add3A, %dma_wait3A] : memref<32x10240xi32, #tpu.memory_space<hbm>> -> memref<1x10240xi32, #tpu.memory_space<hbm>>
      %dma_wait3A_25 = tpu.memref_squeeze %dma_wait3A_24 : memref<1x10240xi32, #tpu.memory_space<hbm>> -> memref<10240xi32, #tpu.memory_space<hbm>>
      %dma_wait3A_26 = arith.constant 0 : i32
      %dma_wait3A_27 = tpu.memref_slice %arg3[%add3A, %dma_wait3A_26] : memref<32x10240xi32, #tpu.memory_space<hbm>> -> memref<1x10240xi32, #tpu.memory_space<hbm>>
      %dma_wait3A_28 = tpu.memref_squeeze %dma_wait3A_27 : memref<1x10240xi32, #tpu.memory_space<hbm>> -> memref<10240xi32, #tpu.memory_space<hbm>>
      tpu.wait_dma2 semaphore(%run_scoped3A : memref<!tpu.dma_semaphore, #tpu.memory_space<semaphore_mem>>) src(%dma_wait3A_28 : memref<10240xi32, #tpu.memory_space<hbm>>) dst(%arg7 : memref<10240xi32, #tpu.memory_space<vmem>>)
      tpu.yield
    }) : () -> ()
    "tpu.region"() ({
      %run_scoped3A = tpu.sem_alloc : memref<!tpu.dma_semaphore, #tpu.memory_space<semaphore_mem>>
      %dma_start3A = arith.constant 0 : i32
      %dma_start3A_19 = tpu.memref_slice %arg4[%add3A, %dma_start3A] : memref<32x10240xi32, #tpu.memory_space<hbm>> -> memref<1x5120xi32, #tpu.memory_space<hbm>>
      %dma_start3A_20 = tpu.memref_squeeze %dma_start3A_19 : memref<1x5120xi32, #tpu.memory_space<hbm>> -> memref<5120xi32, #tpu.memory_space<hbm>>
      %dma_start3A_21 = arith.constant 0 : i32
      %dma_start3A_22 = tpu.memref_slice %arg4[%add3A, %dma_start3A_21] : memref<32x10240xi32, #tpu.memory_space<hbm>> -> memref<1x5120xi32, #tpu.memory_space<hbm>>
      %dma_start3A_23 = tpu.memref_squeeze %dma_start3A_22 : memref<1x5120xi32, #tpu.memory_space<hbm>> -> memref<5120xi32, #tpu.memory_space<hbm>>
      tpu.enqueue_dma source(%dma_start3A_23 : memref<5120xi32, #tpu.memory_space<hbm>>) target(%arg8 : memref<5120xi32, #tpu.memory_space<vmem>>) target_semaphore(%run_scoped3A : memref<!tpu.dma_semaphore, #tpu.memory_space<semaphore_mem>>)
      %dma_wait3A = arith.constant 0 : i32
      %dma_wait3A_24 = tpu.memref_slice %arg4[%add3A, %dma_wait3A] : memref<32x10240xi32, #tpu.memory_space<hbm>> -> memref<1x5120xi32, #tpu.memory_space<hbm>>
      %dma_wait3A_25 = tpu.memref_squeeze %dma_wait3A_24 : memref<1x5120xi32, #tpu.memory_space<hbm>> -> memref<5120xi32, #tpu.memory_space<hbm>>
      %dma_wait3A_26 = arith.constant 0 : i32
      %dma_wait3A_27 = tpu.memref_slice %arg4[%add3A, %dma_wait3A_26] : memref<32x10240xi32, #tpu.memory_space<hbm>> -> memref<1x5120xi32, #tpu.memory_space<hbm>>
      %dma_wait3A_28 = tpu.memref_squeeze %dma_wait3A_27 : memref<1x5120xi32, #tpu.memory_space<hbm>> -> memref<5120xi32, #tpu.memory_space<hbm>>
      tpu.wait_dma2 semaphore(%run_scoped3A : memref<!tpu.dma_semaphore, #tpu.memory_space<semaphore_mem>>) src(%dma_wait3A_28 : memref<5120xi32, #tpu.memory_space<hbm>>) dst(%arg8 : memref<5120xi32, #tpu.memory_space<vmem>>)
      tpu.yield
    }) : () -> ()
    %mul3A_1 = arith.constant 632 : i32
    %mul3A_2 = arith.muli %arg1, %mul3A_1 : i32
    "tpu.region"() ({
      %run_scoped3A = tpu.sem_alloc : memref<!tpu.dma_semaphore, #tpu.memory_space<semaphore_mem>>
      %dma_start3A = arith.constant 0 : i32
      %dma_start3A_19 = tpu.memref_slice %arg10[%mul3A_2, %dma_start3A] : memref<10112x128xf32, #tpu.memory_space<vmem_shared>> -> memref<632x128xf32, #tpu.memory_space<vmem_shared>>
      tpu.enqueue_dma source(%arg5 : memref<632x128xf32, #tpu.memory_space<hbm>>) target(%dma_start3A_19 : memref<632x128xf32, #tpu.memory_space<vmem_shared>>) target_semaphore(%run_scoped3A : memref<!tpu.dma_semaphore, #tpu.memory_space<semaphore_mem>>)
      %dma_wait3A = arith.constant 0 : i32
      %dma_wait3A_20 = tpu.memref_slice %arg10[%mul3A_2, %dma_wait3A] : memref<10112x128xf32, #tpu.memory_space<vmem_shared>> -> memref<632x128xf32, #tpu.memory_space<vmem_shared>>
      tpu.wait_dma2 semaphore(%run_scoped3A : memref<!tpu.dma_semaphore, #tpu.memory_space<semaphore_mem>>) src(%arg5 : memref<632x128xf32, #tpu.memory_space<hbm>>) dst(%dma_wait3A_20 : memref<632x128xf32, #tpu.memory_space<vmem_shared>>)
      tpu.yield
    }) : () -> ()
    %barrier3A = arith.constant 0 : index
    tpu.barrier barrier_id(%barrier3A)
    %scan3A = arith.constant 0 : i32
    %scan3A_3 = arith.constant 0 : i32
    %scan3A_4 = arith.constant 20 : i32
    %scan3A_5 = arith.addi %scan3A_3, %scan3A_4 : i32
    %scan3A_6 = arith.constant 1 : i32
    scf.for %scan3A_19 = %scan3A_3 to %scan3A_5 step %scan3A_6  : i32 {
      %add3A_20 = arith.constant 0 : i32
      %add3A_21 = arith.addi %add3A_20, %scan3A_19 : i32
      %mul3A_22 = arith.constant 256 : i32
      %mul3A_23 = arith.muli %add3A_21, %mul3A_22 : i32
      "tpu.region"() ({
        %run_scoped3A = tpu.sem_alloc : memref<!tpu.dma_semaphore, #tpu.memory_space<semaphore_mem>>
        %dma_start3A = tpu.memref_slice %arg7[%mul3A_23] : memref<10240xi32, #tpu.memory_space<vmem>> -> memref<256xi32, #tpu.memory_space<vmem>>
        %dma_start3A_26 = arith.constant 0 : i32
        %dma_start3A_27 = arith.constant 0 : i32
        %dma_start3A_28 = tpu.memref_slice %arg2[%dma_start3A_26, %dma_start3A_27] : memref<10000x128xf32, #tpu.memory_space<hbm>> -> memref<10000x128xf32, #tpu.memory_space<hbm>>
        tpu.enqueue_indirect_dma source(%dma_start3A_28 : memref<10000x128xf32, #tpu.memory_space<hbm>>) target(%arg9 : memref<256x128xf32, #tpu.memory_space<vmem>>) offsets(%dma_start3A : memref<256xi32, #tpu.memory_space<vmem>>) semaphore(%run_scoped3A : memref<!tpu.dma_semaphore, #tpu.memory_space<semaphore_mem>>)
        %dma_wait3A = tpu.memref_slice %arg7[%mul3A_23] : memref<10240xi32, #tpu.memory_space<vmem>> -> memref<256xi32, #tpu.memory_space<vmem>>
        %dma_wait3A_29 = arith.constant 0 : i32
        %dma_wait3A_30 = arith.constant 0 : i32
        %dma_wait3A_31 = tpu.memref_slice %arg2[%dma_wait3A_29, %dma_wait3A_30] : memref<10000x128xf32, #tpu.memory_space<hbm>> -> memref<10000x128xf32, #tpu.memory_space<hbm>>
        tpu.wait_indirect_dma semaphore(%run_scoped3A : memref<!tpu.dma_semaphore, #tpu.memory_space<semaphore_mem>>) src(%dma_wait3A_31 : memref<10000x128xf32, #tpu.memory_space<hbm>>) dst(%arg9 : memref<256x128xf32, #tpu.memory_space<vmem>>)
        tpu.yield
      }) : () -> ()
      %mul3A_24 = arith.constant 256 : i32
      %mul3A_25 = arith.muli %scan3A_19, %mul3A_24 : i32
      "tpu.region"() ({
        %run_scoped3A = tpu.sem_alloc : memref<!tpu.dma_semaphore, #tpu.memory_space<semaphore_mem>>
        %dma_start3A = tpu.memref_slice %arg8[%mul3A_25] : memref<5120xi32, #tpu.memory_space<vmem>> -> memref<256xi32, #tpu.memory_space<vmem>>
        %dma_start3A_26 = arith.constant 0 : i32
        %dma_start3A_27 = arith.constant 0 : i32
        %dma_start3A_28 = tpu.memref_slice %arg10[%dma_start3A_26, %dma_start3A_27] : memref<10112x128xf32, #tpu.memory_space<vmem_shared>> -> memref<10112x128xf32, #tpu.memory_space<vmem_shared>>
        tpu.enqueue_indirect_dma source(%arg9 : memref<256x128xf32, #tpu.memory_space<vmem>>) target(%dma_start3A_28 : memref<10112x128xf32, #tpu.memory_space<vmem_shared>>) offsets(%dma_start3A : memref<256xi32, #tpu.memory_space<vmem>>) semaphore(%run_scoped3A : memref<!tpu.dma_semaphore, #tpu.memory_space<semaphore_mem>>) {add = true}
        %dma_wait3A = tpu.memref_slice %arg8[%mul3A_25] : memref<5120xi32, #tpu.memory_space<vmem>> -> memref<256xi32, #tpu.memory_space<vmem>>
        %dma_wait3A_29 = arith.constant 0 : i32
        %dma_wait3A_30 = arith.constant 0 : i32
        %dma_wait3A_31 = tpu.memref_slice %arg10[%dma_wait3A_29, %dma_wait3A_30] : memref<10112x128xf32, #tpu.memory_space<vmem_shared>> -> memref<10112x128xf32, #tpu.memory_space<vmem_shared>>
        tpu.wait_indirect_dma semaphore(%run_scoped3A : memref<!tpu.dma_semaphore, #tpu.memory_space<semaphore_mem>>) src(%arg9 : memref<256x128xf32, #tpu.memory_space<vmem>>) dst(%dma_wait3A_31 : memref<10112x128xf32, #tpu.memory_space<vmem_shared>>)
        tpu.yield
      }) : () -> ()
    }
    %scan3A_7 = arith.constant 20 : i32
    "tpu.region"() ({
      %run_scoped3A = tpu.sem_alloc : memref<!tpu.dma_semaphore, #tpu.memory_space<semaphore_mem>>
      %dma_start3A = arith.constant 5120 : i32
      %dma_start3A_19 = tpu.memref_slice %arg4[%add3A, %dma_start3A] : memref<32x10240xi32, #tpu.memory_space<hbm>> -> memref<1x5120xi32, #tpu.memory_space<hbm>>
      %dma_start3A_20 = tpu.memref_squeeze %dma_start3A_19 : memref<1x5120xi32, #tpu.memory_space<hbm>> -> memref<5120xi32, #tpu.memory_space<hbm>>
      %dma_start3A_21 = arith.constant 5120 : i32
      %dma_start3A_22 = tpu.memref_slice %arg4[%add3A, %dma_start3A_21] : memref<32x10240xi32, #tpu.memory_space<hbm>> -> memref<1x5120xi32, #tpu.memory_space<hbm>>
      %dma_start3A_23 = tpu.memref_squeeze %dma_start3A_22 : memref<1x5120xi32, #tpu.memory_space<hbm>> -> memref<5120xi32, #tpu.memory_space<hbm>>
      tpu.enqueue_dma source(%dma_start3A_23 : memref<5120xi32, #tpu.memory_space<hbm>>) target(%arg8 : memref<5120xi32, #tpu.memory_space<vmem>>) target_semaphore(%run_scoped3A : memref<!tpu.dma_semaphore, #tpu.memory_space<semaphore_mem>>)
      %dma_wait3A = arith.constant 5120 : i32
      %dma_wait3A_24 = tpu.memref_slice %arg4[%add3A, %dma_wait3A] : memref<32x10240xi32, #tpu.memory_space<hbm>> -> memref<1x5120xi32, #tpu.memory_space<hbm>>
      %dma_wait3A_25 = tpu.memref_squeeze %dma_wait3A_24 : memref<1x5120xi32, #tpu.memory_space<hbm>> -> memref<5120xi32, #tpu.memory_space<hbm>>
      %dma_wait3A_26 = arith.constant 5120 : i32
      %dma_wait3A_27 = tpu.memref_slice %arg4[%add3A, %dma_wait3A_26] : memref<32x10240xi32, #tpu.memory_space<hbm>> -> memref<1x5120xi32, #tpu.memory_space<hbm>>
      %dma_wait3A_28 = tpu.memref_squeeze %dma_wait3A_27 : memref<1x5120xi32, #tpu.memory_space<hbm>> -> memref<5120xi32, #tpu.memory_space<hbm>>
      tpu.wait_dma2 semaphore(%run_scoped3A : memref<!tpu.dma_semaphore, #tpu.memory_space<semaphore_mem>>) src(%dma_wait3A_28 : memref<5120xi32, #tpu.memory_space<hbm>>) dst(%arg8 : memref<5120xi32, #tpu.memory_space<vmem>>)
      tpu.yield
    }) : () -> ()
    %scan3A_8 = arith.constant 0 : i32
    %scan3A_9 = arith.constant 0 : i32
    %scan3A_10 = arith.constant 20 : i32
    %scan3A_11 = arith.addi %scan3A_9, %scan3A_10 : i32
    %scan3A_12 = arith.constant 1 : i32
    scf.for %scan3A_19 = %scan3A_9 to %scan3A_11 step %scan3A_12  : i32 {
      %add3A_20 = arith.constant 20 : i32
      %add3A_21 = arith.addi %add3A_20, %scan3A_19 : i32
      %mul3A_22 = arith.constant 256 : i32
      %mul3A_23 = arith.muli %add3A_21, %mul3A_22 : i32
      "tpu.region"() ({
        %run_scoped3A = tpu.sem_alloc : memref<!tpu.dma_semaphore, #tpu.memory_space<semaphore_mem>>
        %dma_start3A = tpu.memref_slice %arg7[%mul3A_23] : memref<10240xi32, #tpu.memory_space<vmem>> -> memref<256xi32, #tpu.memory_space<vmem>>
        %dma_start3A_26 = arith.constant 0 : i32
        %dma_start3A_27 = arith.constant 0 : i32
        %dma_start3A_28 = tpu.memref_slice %arg2[%dma_start3A_26, %dma_start3A_27] : memref<10000x128xf32, #tpu.memory_space<hbm>> -> memref<10000x128xf32, #tpu.memory_space<hbm>>
        tpu.enqueue_indirect_dma source(%dma_start3A_28 : memref<10000x128xf32, #tpu.memory_space<hbm>>) target(%arg9 : memref<256x128xf32, #tpu.memory_space<vmem>>) offsets(%dma_start3A : memref<256xi32, #tpu.memory_space<vmem>>) semaphore(%run_scoped3A : memref<!tpu.dma_semaphore, #tpu.memory_space<semaphore_mem>>)
        %dma_wait3A = tpu.memref_slice %arg7[%mul3A_23] : memref<10240xi32, #tpu.memory_space<vmem>> -> memref<256xi32, #tpu.memory_space<vmem>>
        %dma_wait3A_29 = arith.constant 0 : i32
        %dma_wait3A_30 = arith.constant 0 : i32
        %dma_wait3A_31 = tpu.memref_slice %arg2[%dma_wait3A_29, %dma_wait3A_30] : memref<10000x128xf32, #tpu.memory_space<hbm>> -> memref<10000x128xf32, #tpu.memory_space<hbm>>
        tpu.wait_indirect_dma semaphore(%run_scoped3A : memref<!tpu.dma_semaphore, #tpu.memory_space<semaphore_mem>>) src(%dma_wait3A_31 : memref<10000x128xf32, #tpu.memory_space<hbm>>) dst(%arg9 : memref<256x128xf32, #tpu.memory_space<vmem>>)
        tpu.yield
      }) : () -> ()
      %mul3A_24 = arith.constant 256 : i32
      %mul3A_25 = arith.muli %scan3A_19, %mul3A_24 : i32
      "tpu.region"() ({
        %run_scoped3A = tpu.sem_alloc : memref<!tpu.dma_semaphore, #tpu.memory_space<semaphore_mem>>
        %dma_start3A = tpu.memref_slice %arg8[%mul3A_25] : memref<5120xi32, #tpu.memory_space<vmem>> -> memref<256xi32, #tpu.memory_space<vmem>>
        %dma_start3A_26 = arith.constant 0 : i32
        %dma_start3A_27 = arith.constant 0 : i32
        %dma_start3A_28 = tpu.memref_slice %arg10[%dma_start3A_26, %dma_start3A_27] : memref<10112x128xf32, #tpu.memory_space<vmem_shared>> -> memref<10112x128xf32, #tpu.memory_space<vmem_shared>>
        tpu.enqueue_indirect_dma source(%arg9 : memref<256x128xf32, #tpu.memory_space<vmem>>) target(%dma_start3A_28 : memref<10112x128xf32, #tpu.memory_space<vmem_shared>>) offsets(%dma_start3A : memref<256xi32, #tpu.memory_space<vmem>>) semaphore(%run_scoped3A : memref<!tpu.dma_semaphore, #tpu.memory_space<semaphore_mem>>) {add = true}
        %dma_wait3A = tpu.memref_slice %arg8[%mul3A_25] : memref<5120xi32, #tpu.memory_space<vmem>> -> memref<256xi32, #tpu.memory_space<vmem>>
        %dma_wait3A_29 = arith.constant 0 : i32
        %dma_wait3A_30 = arith.constant 0 : i32
        %dma_wait3A_31 = tpu.memref_slice %arg10[%dma_wait3A_29, %dma_wait3A_30] : memref<10112x128xf32, #tpu.memory_space<vmem_shared>> -> memref<10112x128xf32, #tpu.memory_space<vmem_shared>>
        tpu.wait_indirect_dma semaphore(%run_scoped3A : memref<!tpu.dma_semaphore, #tpu.memory_space<semaphore_mem>>) src(%arg9 : memref<256x128xf32, #tpu.memory_space<vmem>>) dst(%dma_wait3A_31 : memref<10112x128xf32, #tpu.memory_space<vmem_shared>>)
        tpu.yield
      }) : () -> ()
    }
    %scan3A_13 = arith.constant 20 : i32
    %barrier3A_14 = arith.constant 0 : index
    tpu.barrier barrier_id(%barrier3A_14)
    %mul3A_15 = arith.constant 632 : i32
    %mul3A_16 = arith.muli %arg1, %mul3A_15 : i32
    %mul3A_17 = arith.constant 632 : i32
    %mul3A_18 = arith.muli %arg1, %mul3A_17 : i32
    "tpu.region"() ({
      %run_scoped3A = tpu.sem_alloc : memref<!tpu.dma_semaphore, #tpu.memory_space<semaphore_mem>>
      %dma_start3A = arith.constant 0 : i32
      %dma_start3A_19 = tpu.memref_slice %arg6[%arg0, %mul3A_18, %dma_start3A] : memref<2x10112x128xf32, #tpu.memory_space<hbm>> -> memref<1x632x128xf32, #tpu.memory_space<hbm>>
      %dma_start3A_20 = tpu.memref_squeeze %dma_start3A_19 : memref<1x632x128xf32, #tpu.memory_space<hbm>> -> memref<632x128xf32, #tpu.memory_space<hbm>>
      %dma_start3A_21 = arith.constant 0 : i32
      %dma_start3A_22 = tpu.memref_slice %arg10[%mul3A_16, %dma_start3A_21] : memref<10112x128xf32, #tpu.memory_space<vmem_shared>> -> memref<632x128xf32, #tpu.memory_space<vmem_shared>>
      tpu.enqueue_dma source(%dma_start3A_22 : memref<632x128xf32, #tpu.memory_space<vmem_shared>>) target(%dma_start3A_20 : memref<632x128xf32, #tpu.memory_space<hbm>>) target_semaphore(%run_scoped3A : memref<!tpu.dma_semaphore, #tpu.memory_space<semaphore_mem>>)
      %dma_wait3A = arith.constant 0 : i32
      %dma_wait3A_23 = tpu.memref_slice %arg6[%arg0, %mul3A_18, %dma_wait3A] : memref<2x10112x128xf32, #tpu.memory_space<hbm>> -> memref<1x632x128xf32, #tpu.memory_space<hbm>>
      %dma_wait3A_24 = tpu.memref_squeeze %dma_wait3A_23 : memref<1x632x128xf32, #tpu.memory_space<hbm>> -> memref<632x128xf32, #tpu.memory_space<hbm>>
      %dma_wait3A_25 = arith.constant 0 : i32
      %dma_wait3A_26 = tpu.memref_slice %arg10[%mul3A_16, %dma_wait3A_25] : memref<10112x128xf32, #tpu.memory_space<vmem_shared>> -> memref<632x128xf32, #tpu.memory_space<vmem_shared>>
      tpu.wait_dma2 semaphore(%run_scoped3A : memref<!tpu.dma_semaphore, #tpu.memory_space<semaphore_mem>>) src(%dma_wait3A_26 : memref<632x128xf32, #tpu.memory_space<vmem_shared>>) dst(%dma_wait3A_24 : memref<632x128xf32, #tpu.memory_space<hbm>>)
      tpu.yield
    }) : () -> ()
    return
  }
}

#map = affine_map<(d0, d1) -> (0, 0)>
#map1 = affine_map<(d0, d1) -> (0, 0, 0)>
module attributes {stable_mosaic.version = 14 : i64} {
  func.func @_sc_scatter_body(%arg0: i32, %arg1: i32, %arg2: memref<10000x128xf32, #tpu.memory_space<hbm>>, %arg3: memref<32x10240xi32, #tpu.memory_space<hbm>>, %arg4: memref<32x10240xi32, #tpu.memory_space<hbm>>, %arg5: memref<632x128xf32, #tpu.memory_space<hbm>>, %arg6: memref<2x10112x128xf32, #tpu.memory_space<hbm>>, %arg7: memref<10240xi32, #tpu.memory_space<vmem>>, %arg8: memref<5120xi32, #tpu.memory_space<vmem>>, %arg9: memref<256x128xf32, #tpu.memory_space<vmem>>, %arg10: memref<10112x128xf32, #tpu.memory_space<vmem_shared>>, %arg11: memref<!tpu.dma_semaphore, #tpu.memory_space<semaphore_mem>>) attributes {dimension_semantics = [#tpu.dimension_semantics<core_parallel>, #tpu.dimension_semantics<subcore_parallel>], iteration_bounds = array<i64: 2, 16>, scalar_prefetch = 0 : i64, scratch_operands = 5 : i64, tpu.core_type = #tpu.core_type<sc_vector_subcore>, window_params = [{transform_indices = #map}, {transform_indices = #map}, {transform_indices = #map}, {transform_indices = #map}, {transform_indices = #map1}]} {
    %mul3A = arith.constant 16 : i32
    %mul3A_0 = arith.muli %arg0, %mul3A : i32
    %add3A = arith.addi %mul3A_0, %arg1 : i32
    "tpu.region"() ({
      %run_scoped3A = tpu.sem_alloc : memref<!tpu.dma_semaphore, #tpu.memory_space<semaphore_mem>>
      %dma_start3A = arith.constant 0 : i32
      %dma_start3A_19 = tpu.memref_slice %arg3[%add3A, %dma_start3A] : memref<32x10240xi32, #tpu.memory_space<hbm>> -> memref<1x10240xi32, #tpu.memory_space<hbm>>
      %dma_start3A_20 = tpu.memref_squeeze %dma_start3A_19 : memref<1x10240xi32, #tpu.memory_space<hbm>> -> memref<10240xi32, #tpu.memory_space<hbm>>
      %dma_start3A_21 = arith.constant 0 : i32
      %dma_start3A_22 = tpu.memref_slice %arg3[%add3A, %dma_start3A_21] : memref<32x10240xi32, #tpu.memory_space<hbm>> -> memref<1x10240xi32, #tpu.memory_space<hbm>>
      %dma_start3A_23 = tpu.memref_squeeze %dma_start3A_22 : memref<1x10240xi32, #tpu.memory_space<hbm>> -> memref<10240xi32, #tpu.memory_space<hbm>>
      tpu.enqueue_dma source(%dma_start3A_23 : memref<10240xi32, #tpu.memory_space<hbm>>) target(%arg7 : memref<10240xi32, #tpu.memory_space<vmem>>) target_semaphore(%run_scoped3A : memref<!tpu.dma_semaphore, #tpu.memory_space<semaphore_mem>>)
      %dma_wait3A = arith.constant 0 : i32
      %dma_wait3A_24 = tpu.memref_slice %arg3[%add3A, %dma_wait3A] : memref<32x10240xi32, #tpu.memory_space<hbm>> -> memref<1x10240xi32, #tpu.memory_space<hbm>>
      %dma_wait3A_25 = tpu.memref_squeeze %dma_wait3A_24 : memref<1x10240xi32, #tpu.memory_space<hbm>> -> memref<10240xi32, #tpu.memory_space<hbm>>
      %dma_wait3A_26 = arith.constant 0 : i32
      %dma_wait3A_27 = tpu.memref_slice %arg3[%add3A, %dma_wait3A_26] : memref<32x10240xi32, #tpu.memory_space<hbm>> -> memref<1x10240xi32, #tpu.memory_space<hbm>>
      %dma_wait3A_28 = tpu.memref_squeeze %dma_wait3A_27 : memref<1x10240xi32, #tpu.memory_space<hbm>> -> memref<10240xi32, #tpu.memory_space<hbm>>
      tpu.wait_dma2 semaphore(%run_scoped3A : memref<!tpu.dma_semaphore, #tpu.memory_space<semaphore_mem>>) src(%dma_wait3A_28 : memref<10240xi32, #tpu.memory_space<hbm>>) dst(%arg7 : memref<10240xi32, #tpu.memory_space<vmem>>)
      tpu.yield
    }) : () -> ()
    "tpu.region"() ({
      %run_scoped3A = tpu.sem_alloc : memref<!tpu.dma_semaphore, #tpu.memory_space<semaphore_mem>>
      %dma_start3A = arith.constant 0 : i32
      %dma_start3A_19 = tpu.memref_slice %arg4[%add3A, %dma_start3A] : memref<32x10240xi32, #tpu.memory_space<hbm>> -> memref<1x5120xi32, #tpu.memory_space<hbm>>
      %dma_start3A_20 = tpu.memref_squeeze %dma_start3A_19 : memref<1x5120xi32, #tpu.memory_space<hbm>> -> memref<5120xi32, #tpu.memory_space<hbm>>
      %dma_start3A_21 = arith.constant 0 : i32
      %dma_start3A_22 = tpu.memref_slice %arg4[%add3A, %dma_start3A_21] : memref<32x10240xi32, #tpu.memory_space<hbm>> -> memref<1x5120xi32, #tpu.memory_space<hbm>>
      %dma_start3A_23 = tpu.memref_squeeze %dma_start3A_22 : memref<1x5120xi32, #tpu.memory_space<hbm>> -> memref<5120xi32, #tpu.memory_space<hbm>>
      tpu.enqueue_dma source(%dma_start3A_23 : memref<5120xi32, #tpu.memory_space<hbm>>) target(%arg8 : memref<5120xi32, #tpu.memory_space<vmem>>) target_semaphore(%run_scoped3A : memref<!tpu.dma_semaphore, #tpu.memory_space<semaphore_mem>>)
      %dma_wait3A = arith.constant 0 : i32
      %dma_wait3A_24 = tpu.memref_slice %arg4[%add3A, %dma_wait3A] : memref<32x10240xi32, #tpu.memory_space<hbm>> -> memref<1x5120xi32, #tpu.memory_space<hbm>>
      %dma_wait3A_25 = tpu.memref_squeeze %dma_wait3A_24 : memref<1x5120xi32, #tpu.memory_space<hbm>> -> memref<5120xi32, #tpu.memory_space<hbm>>
      %dma_wait3A_26 = arith.constant 0 : i32
      %dma_wait3A_27 = tpu.memref_slice %arg4[%add3A, %dma_wait3A_26] : memref<32x10240xi32, #tpu.memory_space<hbm>> -> memref<1x5120xi32, #tpu.memory_space<hbm>>
      %dma_wait3A_28 = tpu.memref_squeeze %dma_wait3A_27 : memref<1x5120xi32, #tpu.memory_space<hbm>> -> memref<5120xi32, #tpu.memory_space<hbm>>
      tpu.wait_dma2 semaphore(%run_scoped3A : memref<!tpu.dma_semaphore, #tpu.memory_space<semaphore_mem>>) src(%dma_wait3A_28 : memref<5120xi32, #tpu.memory_space<hbm>>) dst(%arg8 : memref<5120xi32, #tpu.memory_space<vmem>>)
      tpu.yield
    }) : () -> ()
    %mul3A_1 = arith.constant 632 : i32
    %mul3A_2 = arith.muli %arg1, %mul3A_1 : i32
    "tpu.region"() ({
      %run_scoped3A = tpu.sem_alloc : memref<!tpu.dma_semaphore, #tpu.memory_space<semaphore_mem>>
      %dma_start3A = arith.constant 0 : i32
      %dma_start3A_19 = tpu.memref_slice %arg10[%mul3A_2, %dma_start3A] : memref<10112x128xf32, #tpu.memory_space<vmem_shared>> -> memref<632x128xf32, #tpu.memory_space<vmem_shared>>
      tpu.enqueue_dma source(%arg5 : memref<632x128xf32, #tpu.memory_space<hbm>>) target(%dma_start3A_19 : memref<632x128xf32, #tpu.memory_space<vmem_shared>>) target_semaphore(%run_scoped3A : memref<!tpu.dma_semaphore, #tpu.memory_space<semaphore_mem>>)
      %dma_wait3A = arith.constant 0 : i32
      %dma_wait3A_20 = tpu.memref_slice %arg10[%mul3A_2, %dma_wait3A] : memref<10112x128xf32, #tpu.memory_space<vmem_shared>> -> memref<632x128xf32, #tpu.memory_space<vmem_shared>>
      tpu.wait_dma2 semaphore(%run_scoped3A : memref<!tpu.dma_semaphore, #tpu.memory_space<semaphore_mem>>) src(%arg5 : memref<632x128xf32, #tpu.memory_space<hbm>>) dst(%dma_wait3A_20 : memref<632x128xf32, #tpu.memory_space<vmem_shared>>)
      tpu.yield
    }) : () -> ()
    %barrier3A = arith.constant 0 : index
    tpu.barrier barrier_id(%barrier3A)
    %scan3A = arith.constant 0 : i32
    %scan3A_3 = arith.constant 0 : i32
    %scan3A_4 = arith.constant 20 : i32
    %scan3A_5 = arith.addi %scan3A_3, %scan3A_4 : i32
    %scan3A_6 = arith.constant 1 : i32
    scf.for %scan3A_19 = %scan3A_3 to %scan3A_5 step %scan3A_6  : i32 {
      %add3A_20 = arith.constant 0 : i32
      %add3A_21 = arith.addi %add3A_20, %scan3A_19 : i32
      %mul3A_22 = arith.constant 256 : i32
      %mul3A_23 = arith.muli %add3A_21, %mul3A_22 : i32
      "tpu.region"() ({
        %run_scoped3A = tpu.sem_alloc : memref<!tpu.dma_semaphore, #tpu.memory_space<semaphore_mem>>
        %dma_start3A = tpu.memref_slice %arg7[%mul3A_23] : memref<10240xi32, #tpu.memory_space<vmem>> -> memref<256xi32, #tpu.memory_space<vmem>>
        %dma_start3A_26 = arith.constant 0 : i32
        %dma_start3A_27 = arith.constant 0 : i32
        %dma_start3A_28 = tpu.memref_slice %arg2[%dma_start3A_26, %dma_start3A_27] : memref<10000x128xf32, #tpu.memory_space<hbm>> -> memref<10000x128xf32, #tpu.memory_space<hbm>>
        tpu.enqueue_indirect_dma source(%dma_start3A_28 : memref<10000x128xf32, #tpu.memory_space<hbm>>) target(%arg9 : memref<256x128xf32, #tpu.memory_space<vmem>>) offsets(%dma_start3A : memref<256xi32, #tpu.memory_space<vmem>>) semaphore(%run_scoped3A : memref<!tpu.dma_semaphore, #tpu.memory_space<semaphore_mem>>)
        %dma_wait3A = tpu.memref_slice %arg7[%mul3A_23] : memref<10240xi32, #tpu.memory_space<vmem>> -> memref<256xi32, #tpu.memory_space<vmem>>
        %dma_wait3A_29 = arith.constant 0 : i32
        %dma_wait3A_30 = arith.constant 0 : i32
        %dma_wait3A_31 = tpu.memref_slice %arg2[%dma_wait3A_29, %dma_wait3A_30] : memref<10000x128xf32, #tpu.memory_space<hbm>> -> memref<10000x128xf32, #tpu.memory_space<hbm>>
        tpu.wait_indirect_dma semaphore(%run_scoped3A : memref<!tpu.dma_semaphore, #tpu.memory_space<semaphore_mem>>) src(%dma_wait3A_31 : memref<10000x128xf32, #tpu.memory_space<hbm>>) dst(%arg9 : memref<256x128xf32, #tpu.memory_space<vmem>>)
        tpu.yield
      }) : () -> ()
      %mul3A_24 = arith.constant 256 : i32
      %mul3A_25 = arith.muli %scan3A_19, %mul3A_24 : i32
      "tpu.region"() ({
        %run_scoped3A = tpu.sem_alloc : memref<!tpu.dma_semaphore, #tpu.memory_space<semaphore_mem>>
        %dma_start3A = tpu.memref_slice %arg8[%mul3A_25] : memref<5120xi32, #tpu.memory_space<vmem>> -> memref<256xi32, #tpu.memory_space<vmem>>
        %dma_start3A_26 = arith.constant 0 : i32
        %dma_start3A_27 = arith.constant 0 : i32
        %dma_start3A_28 = tpu.memref_slice %arg10[%dma_start3A_26, %dma_start3A_27] : memref<10112x128xf32, #tpu.memory_space<vmem_shared>> -> memref<10112x128xf32, #tpu.memory_space<vmem_shared>>
        tpu.enqueue_indirect_dma source(%arg9 : memref<256x128xf32, #tpu.memory_space<vmem>>) target(%dma_start3A_28 : memref<10112x128xf32, #tpu.memory_space<vmem_shared>>) offsets(%dma_start3A : memref<256xi32, #tpu.memory_space<vmem>>) semaphore(%run_scoped3A : memref<!tpu.dma_semaphore, #tpu.memory_space<semaphore_mem>>) {add = true}
        %dma_wait3A = tpu.memref_slice %arg8[%mul3A_25] : memref<5120xi32, #tpu.memory_space<vmem>> -> memref<256xi32, #tpu.memory_space<vmem>>
        %dma_wait3A_29 = arith.constant 0 : i32
        %dma_wait3A_30 = arith.constant 0 : i32
        %dma_wait3A_31 = tpu.memref_slice %arg10[%dma_wait3A_29, %dma_wait3A_30] : memref<10112x128xf32, #tpu.memory_space<vmem_shared>> -> memref<10112x128xf32, #tpu.memory_space<vmem_shared>>
        tpu.wait_indirect_dma semaphore(%run_scoped3A : memref<!tpu.dma_semaphore, #tpu.memory_space<semaphore_mem>>) src(%arg9 : memref<256x128xf32, #tpu.memory_space<vmem>>) dst(%dma_wait3A_31 : memref<10112x128xf32, #tpu.memory_space<vmem_shared>>)
        tpu.yield
      }) : () -> ()
    }
    %scan3A_7 = arith.constant 20 : i32
    "tpu.region"() ({
      %run_scoped3A = tpu.sem_alloc : memref<!tpu.dma_semaphore, #tpu.memory_space<semaphore_mem>>
      %dma_start3A = arith.constant 5120 : i32
      %dma_start3A_19 = tpu.memref_slice %arg4[%add3A, %dma_start3A] : memref<32x10240xi32, #tpu.memory_space<hbm>> -> memref<1x5120xi32, #tpu.memory_space<hbm>>
      %dma_start3A_20 = tpu.memref_squeeze %dma_start3A_19 : memref<1x5120xi32, #tpu.memory_space<hbm>> -> memref<5120xi32, #tpu.memory_space<hbm>>
      %dma_start3A_21 = arith.constant 5120 : i32
      %dma_start3A_22 = tpu.memref_slice %arg4[%add3A, %dma_start3A_21] : memref<32x10240xi32, #tpu.memory_space<hbm>> -> memref<1x5120xi32, #tpu.memory_space<hbm>>
      %dma_start3A_23 = tpu.memref_squeeze %dma_start3A_22 : memref<1x5120xi32, #tpu.memory_space<hbm>> -> memref<5120xi32, #tpu.memory_space<hbm>>
      tpu.enqueue_dma source(%dma_start3A_23 : memref<5120xi32, #tpu.memory_space<hbm>>) target(%arg8 : memref<5120xi32, #tpu.memory_space<vmem>>) target_semaphore(%run_scoped3A : memref<!tpu.dma_semaphore, #tpu.memory_space<semaphore_mem>>)
      %dma_wait3A = arith.constant 5120 : i32
      %dma_wait3A_24 = tpu.memref_slice %arg4[%add3A, %dma_wait3A] : memref<32x10240xi32, #tpu.memory_space<hbm>> -> memref<1x5120xi32, #tpu.memory_space<hbm>>
      %dma_wait3A_25 = tpu.memref_squeeze %dma_wait3A_24 : memref<1x5120xi32, #tpu.memory_space<hbm>> -> memref<5120xi32, #tpu.memory_space<hbm>>
      %dma_wait3A_26 = arith.constant 5120 : i32
      %dma_wait3A_27 = tpu.memref_slice %arg4[%add3A, %dma_wait3A_26] : memref<32x10240xi32, #tpu.memory_space<hbm>> -> memref<1x5120xi32, #tpu.memory_space<hbm>>
      %dma_wait3A_28 = tpu.memref_squeeze %dma_wait3A_27 : memref<1x5120xi32, #tpu.memory_space<hbm>> -> memref<5120xi32, #tpu.memory_space<hbm>>
      tpu.wait_dma2 semaphore(%run_scoped3A : memref<!tpu.dma_semaphore, #tpu.memory_space<semaphore_mem>>) src(%dma_wait3A_28 : memref<5120xi32, #tpu.memory_space<hbm>>) dst(%arg8 : memref<5120xi32, #tpu.memory_space<vmem>>)
      tpu.yield
    }) : () -> ()
    %scan3A_8 = arith.constant 0 : i32
    %scan3A_9 = arith.constant 0 : i32
    %scan3A_10 = arith.constant 20 : i32
    %scan3A_11 = arith.addi %scan3A_9, %scan3A_10 : i32
    %scan3A_12 = arith.constant 1 : i32
    scf.for %scan3A_19 = %scan3A_9 to %scan3A_11 step %scan3A_12  : i32 {
      %add3A_20 = arith.constant 20 : i32
      %add3A_21 = arith.addi %add3A_20, %scan3A_19 : i32
      %mul3A_22 = arith.constant 256 : i32
      %mul3A_23 = arith.muli %add3A_21, %mul3A_22 : i32
      "tpu.region"() ({
        %run_scoped3A = tpu.sem_alloc : memref<!tpu.dma_semaphore, #tpu.memory_space<semaphore_mem>>
        %dma_start3A = tpu.memref_slice %arg7[%mul3A_23] : memref<10240xi32, #tpu.memory_space<vmem>> -> memref<256xi32, #tpu.memory_space<vmem>>
        %dma_start3A_26 = arith.constant 0 : i32
        %dma_start3A_27 = arith.constant 0 : i32
        %dma_start3A_28 = tpu.memref_slice %arg2[%dma_start3A_26, %dma_start3A_27] : memref<10000x128xf32, #tpu.memory_space<hbm>> -> memref<10000x128xf32, #tpu.memory_space<hbm>>
        tpu.enqueue_indirect_dma source(%dma_start3A_28 : memref<10000x128xf32, #tpu.memory_space<hbm>>) target(%arg9 : memref<256x128xf32, #tpu.memory_space<vmem>>) offsets(%dma_start3A : memref<256xi32, #tpu.memory_space<vmem>>) semaphore(%run_scoped3A : memref<!tpu.dma_semaphore, #tpu.memory_space<semaphore_mem>>)
        %dma_wait3A = tpu.memref_slice %arg7[%mul3A_23] : memref<10240xi32, #tpu.memory_space<vmem>> -> memref<256xi32, #tpu.memory_space<vmem>>
        %dma_wait3A_29 = arith.constant 0 : i32
        %dma_wait3A_30 = arith.constant 0 : i32
        %dma_wait3A_31 = tpu.memref_slice %arg2[%dma_wait3A_29, %dma_wait3A_30] : memref<10000x128xf32, #tpu.memory_space<hbm>> -> memref<10000x128xf32, #tpu.memory_space<hbm>>
        tpu.wait_indirect_dma semaphore(%run_scoped3A : memref<!tpu.dma_semaphore, #tpu.memory_space<semaphore_mem>>) src(%dma_wait3A_31 : memref<10000x128xf32, #tpu.memory_space<hbm>>) dst(%arg9 : memref<256x128xf32, #tpu.memory_space<vmem>>)
        tpu.yield
      }) : () -> ()
      %mul3A_24 = arith.constant 256 : i32
      %mul3A_25 = arith.muli %scan3A_19, %mul3A_24 : i32
      "tpu.region"() ({
        %run_scoped3A = tpu.sem_alloc : memref<!tpu.dma_semaphore, #tpu.memory_space<semaphore_mem>>
        %dma_start3A = tpu.memref_slice %arg8[%mul3A_25] : memref<5120xi32, #tpu.memory_space<vmem>> -> memref<256xi32, #tpu.memory_space<vmem>>
        %dma_start3A_26 = arith.constant 0 : i32
        %dma_start3A_27 = arith.constant 0 : i32
        %dma_start3A_28 = tpu.memref_slice %arg10[%dma_start3A_26, %dma_start3A_27] : memref<10112x128xf32, #tpu.memory_space<vmem_shared>> -> memref<10112x128xf32, #tpu.memory_space<vmem_shared>>
        tpu.enqueue_indirect_dma source(%arg9 : memref<256x128xf32, #tpu.memory_space<vmem>>) target(%dma_start3A_28 : memref<10112x128xf32, #tpu.memory_space<vmem_shared>>) offsets(%dma_start3A : memref<256xi32, #tpu.memory_space<vmem>>) semaphore(%run_scoped3A : memref<!tpu.dma_semaphore, #tpu.memory_space<semaphore_mem>>) {add = true}
        %dma_wait3A = tpu.memref_slice %arg8[%mul3A_25] : memref<5120xi32, #tpu.memory_space<vmem>> -> memref<256xi32, #tpu.memory_space<vmem>>
        %dma_wait3A_29 = arith.constant 0 : i32
        %dma_wait3A_30 = arith.constant 0 : i32
        %dma_wait3A_31 = tpu.memref_slice %arg10[%dma_wait3A_29, %dma_wait3A_30] : memref<10112x128xf32, #tpu.memory_space<vmem_shared>> -> memref<10112x128xf32, #tpu.memory_space<vmem_shared>>
        tpu.wait_indirect_dma semaphore(%run_scoped3A : memref<!tpu.dma_semaphore, #tpu.memory_space<semaphore_mem>>) src(%arg9 : memref<256x128xf32, #tpu.memory_space<vmem>>) dst(%dma_wait3A_31 : memref<10112x128xf32, #tpu.memory_space<vmem_shared>>)
        tpu.yield
      }) : () -> ()
    }
    %scan3A_13 = arith.constant 20 : i32
    %barrier3A_14 = arith.constant 0 : index
    tpu.barrier barrier_id(%barrier3A_14)
    %mul3A_15 = arith.constant 632 : i32
    %mul3A_16 = arith.muli %arg1, %mul3A_15 : i32
    %mul3A_17 = arith.constant 632 : i32
    %mul3A_18 = arith.muli %arg1, %mul3A_17 : i32
    "tpu.region"() ({
      %run_scoped3A = tpu.sem_alloc : memref<!tpu.dma_semaphore, #tpu.memory_space<semaphore_mem>>
      %dma_start3A = arith.constant 0 : i32
      %dma_start3A_19 = tpu.memref_slice %arg6[%arg0, %mul3A_18, %dma_start3A] : memref<2x10112x128xf32, #tpu.memory_space<hbm>> -> memref<1x632x128xf32, #tpu.memory_space<hbm>>
      %dma_start3A_20 = tpu.memref_squeeze %dma_start3A_19 : memref<1x632x128xf32, #tpu.memory_space<hbm>> -> memref<632x128xf32, #tpu.memory_space<hbm>>
      %dma_start3A_21 = arith.constant 0 : i32
      %dma_start3A_22 = tpu.memref_slice %arg10[%mul3A_16, %dma_start3A_21] : memref<10112x128xf32, #tpu.memory_space<vmem_shared>> -> memref<632x128xf32, #tpu.memory_space<vmem_shared>>
      tpu.enqueue_dma source(%dma_start3A_22 : memref<632x128xf32, #tpu.memory_space<vmem_shared>>) target(%dma_start3A_20 : memref<632x128xf32, #tpu.memory_space<hbm>>) target_semaphore(%run_scoped3A : memref<!tpu.dma_semaphore, #tpu.memory_space<semaphore_mem>>)
      %dma_wait3A = arith.constant 0 : i32
      %dma_wait3A_23 = tpu.memref_slice %arg6[%arg0, %mul3A_18, %dma_wait3A] : memref<2x10112x128xf32, #tpu.memory_space<hbm>> -> memref<1x632x128xf32, #tpu.memory_space<hbm>>
      %dma_wait3A_24 = tpu.memref_squeeze %dma_wait3A_23 : memref<1x632x128xf32, #tpu.memory_space<hbm>> -> memref<632x128xf32, #tpu.memory_space<hbm>>
      %dma_wait3A_25 = arith.constant 0 : i32
      %dma_wait3A_26 = tpu.memref_slice %arg10[%mul3A_16, %dma_wait3A_25] : memref<10112x128xf32, #tpu.memory_space<vmem_shared>> -> memref<632x128xf32, #tpu.memory_space<vmem_shared>>
      tpu.wait_dma2 semaphore(%run_scoped3A : memref<!tpu.dma_semaphore, #tpu.memory_space<semaphore_mem>>) src(%dma_wait3A_26 : memref<632x128xf32, #tpu.memory_space<vmem_shared>>) dst(%dma_wait3A_24 : memref<632x128xf32, #tpu.memory_space<hbm>>)
      tpu.yield
    }) : () -> ()
    return
  }
}

#map = affine_map<(d0, d1) -> (0, 0)>
#map1 = affine_map<(d0, d1) -> (0, 0, 0)>
module attributes {stable_mosaic.version = 14 : i64} {
  func.func @_sc_scatter_body(%arg0: i32, %arg1: i32, %arg2: memref<10000x128xf32, #tpu.memory_space<hbm>>, %arg3: memref<32x10240xi32, #tpu.memory_space<hbm>>, %arg4: memref<32x10240xi32, #tpu.memory_space<hbm>>, %arg5: memref<632x128xf32, #tpu.memory_space<hbm>>, %arg6: memref<2x10112x128xf32, #tpu.memory_space<hbm>>, %arg7: memref<10240xi32, #tpu.memory_space<vmem>>, %arg8: memref<5120xi32, #tpu.memory_space<vmem>>, %arg9: memref<256x128xf32, #tpu.memory_space<vmem>>, %arg10: memref<10112x128xf32, #tpu.memory_space<vmem_shared>>, %arg11: memref<!tpu.dma_semaphore, #tpu.memory_space<semaphore_mem>>) attributes {dimension_semantics = [#tpu.dimension_semantics<core_parallel>, #tpu.dimension_semantics<subcore_parallel>], iteration_bounds = array<i64: 2, 16>, scalar_prefetch = 0 : i64, scratch_operands = 5 : i64, tpu.core_type = #tpu.core_type<sc_vector_subcore>, window_params = [{transform_indices = #map}, {transform_indices = #map}, {transform_indices = #map}, {transform_indices = #map}, {transform_indices = #map1}]} {
    %mul3A = arith.constant 16 : i32
    %mul3A_0 = arith.muli %arg0, %mul3A : i32
    %add3A = arith.addi %mul3A_0, %arg1 : i32
    "tpu.region"() ({
      %run_scoped3A = tpu.sem_alloc : memref<!tpu.dma_semaphore, #tpu.memory_space<semaphore_mem>>
      %dma_start3A = arith.constant 0 : i32
      %dma_start3A_19 = tpu.memref_slice %arg3[%add3A, %dma_start3A] : memref<32x10240xi32, #tpu.memory_space<hbm>> -> memref<1x10240xi32, #tpu.memory_space<hbm>>
      %dma_start3A_20 = tpu.memref_squeeze %dma_start3A_19 : memref<1x10240xi32, #tpu.memory_space<hbm>> -> memref<10240xi32, #tpu.memory_space<hbm>>
      %dma_start3A_21 = arith.constant 0 : i32
      %dma_start3A_22 = tpu.memref_slice %arg3[%add3A, %dma_start3A_21] : memref<32x10240xi32, #tpu.memory_space<hbm>> -> memref<1x10240xi32, #tpu.memory_space<hbm>>
      %dma_start3A_23 = tpu.memref_squeeze %dma_start3A_22 : memref<1x10240xi32, #tpu.memory_space<hbm>> -> memref<10240xi32, #tpu.memory_space<hbm>>
      tpu.enqueue_dma source(%dma_start3A_23 : memref<10240xi32, #tpu.memory_space<hbm>>) target(%arg7 : memref<10240xi32, #tpu.memory_space<vmem>>) target_semaphore(%run_scoped3A : memref<!tpu.dma_semaphore, #tpu.memory_space<semaphore_mem>>)
      %dma_wait3A = arith.constant 0 : i32
      %dma_wait3A_24 = tpu.memref_slice %arg3[%add3A, %dma_wait3A] : memref<32x10240xi32, #tpu.memory_space<hbm>> -> memref<1x10240xi32, #tpu.memory_space<hbm>>
      %dma_wait3A_25 = tpu.memref_squeeze %dma_wait3A_24 : memref<1x10240xi32, #tpu.memory_space<hbm>> -> memref<10240xi32, #tpu.memory_space<hbm>>
      %dma_wait3A_26 = arith.constant 0 : i32
      %dma_wait3A_27 = tpu.memref_slice %arg3[%add3A, %dma_wait3A_26] : memref<32x10240xi32, #tpu.memory_space<hbm>> -> memref<1x10240xi32, #tpu.memory_space<hbm>>
      %dma_wait3A_28 = tpu.memref_squeeze %dma_wait3A_27 : memref<1x10240xi32, #tpu.memory_space<hbm>> -> memref<10240xi32, #tpu.memory_space<hbm>>
      tpu.wait_dma2 semaphore(%run_scoped3A : memref<!tpu.dma_semaphore, #tpu.memory_space<semaphore_mem>>) src(%dma_wait3A_28 : memref<10240xi32, #tpu.memory_space<hbm>>) dst(%arg7 : memref<10240xi32, #tpu.memory_space<vmem>>)
      tpu.yield
    }) : () -> ()
    "tpu.region"() ({
      %run_scoped3A = tpu.sem_alloc : memref<!tpu.dma_semaphore, #tpu.memory_space<semaphore_mem>>
      %dma_start3A = arith.constant 0 : i32
      %dma_start3A_19 = tpu.memref_slice %arg4[%add3A, %dma_start3A] : memref<32x10240xi32, #tpu.memory_space<hbm>> -> memref<1x5120xi32, #tpu.memory_space<hbm>>
      %dma_start3A_20 = tpu.memref_squeeze %dma_start3A_19 : memref<1x5120xi32, #tpu.memory_space<hbm>> -> memref<5120xi32, #tpu.memory_space<hbm>>
      %dma_start3A_21 = arith.constant 0 : i32
      %dma_start3A_22 = tpu.memref_slice %arg4[%add3A, %dma_start3A_21] : memref<32x10240xi32, #tpu.memory_space<hbm>> -> memref<1x5120xi32, #tpu.memory_space<hbm>>
      %dma_start3A_23 = tpu.memref_squeeze %dma_start3A_22 : memref<1x5120xi32, #tpu.memory_space<hbm>> -> memref<5120xi32, #tpu.memory_space<hbm>>
      tpu.enqueue_dma source(%dma_start3A_23 : memref<5120xi32, #tpu.memory_space<hbm>>) target(%arg8 : memref<5120xi32, #tpu.memory_space<vmem>>) target_semaphore(%run_scoped3A : memref<!tpu.dma_semaphore, #tpu.memory_space<semaphore_mem>>)
      %dma_wait3A = arith.constant 0 : i32
      %dma_wait3A_24 = tpu.memref_slice %arg4[%add3A, %dma_wait3A] : memref<32x10240xi32, #tpu.memory_space<hbm>> -> memref<1x5120xi32, #tpu.memory_space<hbm>>
      %dma_wait3A_25 = tpu.memref_squeeze %dma_wait3A_24 : memref<1x5120xi32, #tpu.memory_space<hbm>> -> memref<5120xi32, #tpu.memory_space<hbm>>
      %dma_wait3A_26 = arith.constant 0 : i32
      %dma_wait3A_27 = tpu.memref_slice %arg4[%add3A, %dma_wait3A_26] : memref<32x10240xi32, #tpu.memory_space<hbm>> -> memref<1x5120xi32, #tpu.memory_space<hbm>>
      %dma_wait3A_28 = tpu.memref_squeeze %dma_wait3A_27 : memref<1x5120xi32, #tpu.memory_space<hbm>> -> memref<5120xi32, #tpu.memory_space<hbm>>
      tpu.wait_dma2 semaphore(%run_scoped3A : memref<!tpu.dma_semaphore, #tpu.memory_space<semaphore_mem>>) src(%dma_wait3A_28 : memref<5120xi32, #tpu.memory_space<hbm>>) dst(%arg8 : memref<5120xi32, #tpu.memory_space<vmem>>)
      tpu.yield
    }) : () -> ()
    %mul3A_1 = arith.constant 632 : i32
    %mul3A_2 = arith.muli %arg1, %mul3A_1 : i32
    "tpu.region"() ({
      %run_scoped3A = tpu.sem_alloc : memref<!tpu.dma_semaphore, #tpu.memory_space<semaphore_mem>>
      %dma_start3A = arith.constant 0 : i32
      %dma_start3A_19 = tpu.memref_slice %arg10[%mul3A_2, %dma_start3A] : memref<10112x128xf32, #tpu.memory_space<vmem_shared>> -> memref<632x128xf32, #tpu.memory_space<vmem_shared>>
      tpu.enqueue_dma source(%arg5 : memref<632x128xf32, #tpu.memory_space<hbm>>) target(%dma_start3A_19 : memref<632x128xf32, #tpu.memory_space<vmem_shared>>) target_semaphore(%run_scoped3A : memref<!tpu.dma_semaphore, #tpu.memory_space<semaphore_mem>>)
      %dma_wait3A = arith.constant 0 : i32
      %dma_wait3A_20 = tpu.memref_slice %arg10[%mul3A_2, %dma_wait3A] : memref<10112x128xf32, #tpu.memory_space<vmem_shared>> -> memref<632x128xf32, #tpu.memory_space<vmem_shared>>
      tpu.wait_dma2 semaphore(%run_scoped3A : memref<!tpu.dma_semaphore, #tpu.memory_space<semaphore_mem>>) src(%arg5 : memref<632x128xf32, #tpu.memory_space<hbm>>) dst(%dma_wait3A_20 : memref<632x128xf32, #tpu.memory_space<vmem_shared>>)
      tpu.yield
    }) : () -> ()
    %barrier3A = arith.constant 0 : index
    tpu.barrier barrier_id(%barrier3A)
    %scan3A = arith.constant 0 : i32
    %scan3A_3 = arith.constant 0 : i32
    %scan3A_4 = arith.constant 20 : i32
    %scan3A_5 = arith.addi %scan3A_3, %scan3A_4 : i32
    %scan3A_6 = arith.constant 1 : i32
    scf.for %scan3A_19 = %scan3A_3 to %scan3A_5 step %scan3A_6  : i32 {
      %add3A_20 = arith.constant 0 : i32
      %add3A_21 = arith.addi %add3A_20, %scan3A_19 : i32
      %mul3A_22 = arith.constant 256 : i32
      %mul3A_23 = arith.muli %add3A_21, %mul3A_22 : i32
      "tpu.region"() ({
        %run_scoped3A = tpu.sem_alloc : memref<!tpu.dma_semaphore, #tpu.memory_space<semaphore_mem>>
        %dma_start3A = tpu.memref_slice %arg7[%mul3A_23] : memref<10240xi32, #tpu.memory_space<vmem>> -> memref<256xi32, #tpu.memory_space<vmem>>
        %dma_start3A_26 = arith.constant 0 : i32
        %dma_start3A_27 = arith.constant 0 : i32
        %dma_start3A_28 = tpu.memref_slice %arg2[%dma_start3A_26, %dma_start3A_27] : memref<10000x128xf32, #tpu.memory_space<hbm>> -> memref<10000x128xf32, #tpu.memory_space<hbm>>
        tpu.enqueue_indirect_dma source(%dma_start3A_28 : memref<10000x128xf32, #tpu.memory_space<hbm>>) target(%arg9 : memref<256x128xf32, #tpu.memory_space<vmem>>) offsets(%dma_start3A : memref<256xi32, #tpu.memory_space<vmem>>) semaphore(%run_scoped3A : memref<!tpu.dma_semaphore, #tpu.memory_space<semaphore_mem>>)
        %dma_wait3A = tpu.memref_slice %arg7[%mul3A_23] : memref<10240xi32, #tpu.memory_space<vmem>> -> memref<256xi32, #tpu.memory_space<vmem>>
        %dma_wait3A_29 = arith.constant 0 : i32
        %dma_wait3A_30 = arith.constant 0 : i32
        %dma_wait3A_31 = tpu.memref_slice %arg2[%dma_wait3A_29, %dma_wait3A_30] : memref<10000x128xf32, #tpu.memory_space<hbm>> -> memref<10000x128xf32, #tpu.memory_space<hbm>>
        tpu.wait_indirect_dma semaphore(%run_scoped3A : memref<!tpu.dma_semaphore, #tpu.memory_space<semaphore_mem>>) src(%dma_wait3A_31 : memref<10000x128xf32, #tpu.memory_space<hbm>>) dst(%arg9 : memref<256x128xf32, #tpu.memory_space<vmem>>)
        tpu.yield
      }) : () -> ()
      %mul3A_24 = arith.constant 256 : i32
      %mul3A_25 = arith.muli %scan3A_19, %mul3A_24 : i32
      "tpu.region"() ({
        %run_scoped3A = tpu.sem_alloc : memref<!tpu.dma_semaphore, #tpu.memory_space<semaphore_mem>>
        %dma_start3A = tpu.memref_slice %arg8[%mul3A_25] : memref<5120xi32, #tpu.memory_space<vmem>> -> memref<256xi32, #tpu.memory_space<vmem>>
        %dma_start3A_26 = arith.constant 0 : i32
        %dma_start3A_27 = arith.constant 0 : i32
        %dma_start3A_28 = tpu.memref_slice %arg10[%dma_start3A_26, %dma_start3A_27] : memref<10112x128xf32, #tpu.memory_space<vmem_shared>> -> memref<10112x128xf32, #tpu.memory_space<vmem_shared>>
        tpu.enqueue_indirect_dma source(%arg9 : memref<256x128xf32, #tpu.memory_space<vmem>>) target(%dma_start3A_28 : memref<10112x128xf32, #tpu.memory_space<vmem_shared>>) offsets(%dma_start3A : memref<256xi32, #tpu.memory_space<vmem>>) semaphore(%run_scoped3A : memref<!tpu.dma_semaphore, #tpu.memory_space<semaphore_mem>>) {add = true}
        %dma_wait3A = tpu.memref_slice %arg8[%mul3A_25] : memref<5120xi32, #tpu.memory_space<vmem>> -> memref<256xi32, #tpu.memory_space<vmem>>
        %dma_wait3A_29 = arith.constant 0 : i32
        %dma_wait3A_30 = arith.constant 0 : i32
        %dma_wait3A_31 = tpu.memref_slice %arg10[%dma_wait3A_29, %dma_wait3A_30] : memref<10112x128xf32, #tpu.memory_space<vmem_shared>> -> memref<10112x128xf32, #tpu.memory_space<vmem_shared>>
        tpu.wait_indirect_dma semaphore(%run_scoped3A : memref<!tpu.dma_semaphore, #tpu.memory_space<semaphore_mem>>) src(%arg9 : memref<256x128xf32, #tpu.memory_space<vmem>>) dst(%dma_wait3A_31 : memref<10112x128xf32, #tpu.memory_space<vmem_shared>>)
        tpu.yield
      }) : () -> ()
    }
    %scan3A_7 = arith.constant 20 : i32
    "tpu.region"() ({
      %run_scoped3A = tpu.sem_alloc : memref<!tpu.dma_semaphore, #tpu.memory_space<semaphore_mem>>
      %dma_start3A = arith.constant 5120 : i32
      %dma_start3A_19 = tpu.memref_slice %arg4[%add3A, %dma_start3A] : memref<32x10240xi32, #tpu.memory_space<hbm>> -> memref<1x5120xi32, #tpu.memory_space<hbm>>
      %dma_start3A_20 = tpu.memref_squeeze %dma_start3A_19 : memref<1x5120xi32, #tpu.memory_space<hbm>> -> memref<5120xi32, #tpu.memory_space<hbm>>
      %dma_start3A_21 = arith.constant 5120 : i32
      %dma_start3A_22 = tpu.memref_slice %arg4[%add3A, %dma_start3A_21] : memref<32x10240xi32, #tpu.memory_space<hbm>> -> memref<1x5120xi32, #tpu.memory_space<hbm>>
      %dma_start3A_23 = tpu.memref_squeeze %dma_start3A_22 : memref<1x5120xi32, #tpu.memory_space<hbm>> -> memref<5120xi32, #tpu.memory_space<hbm>>
      tpu.enqueue_dma source(%dma_start3A_23 : memref<5120xi32, #tpu.memory_space<hbm>>) target(%arg8 : memref<5120xi32, #tpu.memory_space<vmem>>) target_semaphore(%run_scoped3A : memref<!tpu.dma_semaphore, #tpu.memory_space<semaphore_mem>>)
      %dma_wait3A = arith.constant 5120 : i32
      %dma_wait3A_24 = tpu.memref_slice %arg4[%add3A, %dma_wait3A] : memref<32x10240xi32, #tpu.memory_space<hbm>> -> memref<1x5120xi32, #tpu.memory_space<hbm>>
      %dma_wait3A_25 = tpu.memref_squeeze %dma_wait3A_24 : memref<1x5120xi32, #tpu.memory_space<hbm>> -> memref<5120xi32, #tpu.memory_space<hbm>>
      %dma_wait3A_26 = arith.constant 5120 : i32
      %dma_wait3A_27 = tpu.memref_slice %arg4[%add3A, %dma_wait3A_26] : memref<32x10240xi32, #tpu.memory_space<hbm>> -> memref<1x5120xi32, #tpu.memory_space<hbm>>
      %dma_wait3A_28 = tpu.memref_squeeze %dma_wait3A_27 : memref<1x5120xi32, #tpu.memory_space<hbm>> -> memref<5120xi32, #tpu.memory_space<hbm>>
      tpu.wait_dma2 semaphore(%run_scoped3A : memref<!tpu.dma_semaphore, #tpu.memory_space<semaphore_mem>>) src(%dma_wait3A_28 : memref<5120xi32, #tpu.memory_space<hbm>>) dst(%arg8 : memref<5120xi32, #tpu.memory_space<vmem>>)
      tpu.yield
    }) : () -> ()
    %scan3A_8 = arith.constant 0 : i32
    %scan3A_9 = arith.constant 0 : i32
    %scan3A_10 = arith.constant 20 : i32
    %scan3A_11 = arith.addi %scan3A_9, %scan3A_10 : i32
    %scan3A_12 = arith.constant 1 : i32
    scf.for %scan3A_19 = %scan3A_9 to %scan3A_11 step %scan3A_12  : i32 {
      %add3A_20 = arith.constant 20 : i32
      %add3A_21 = arith.addi %add3A_20, %scan3A_19 : i32
      %mul3A_22 = arith.constant 256 : i32
      %mul3A_23 = arith.muli %add3A_21, %mul3A_22 : i32
      "tpu.region"() ({
        %run_scoped3A = tpu.sem_alloc : memref<!tpu.dma_semaphore, #tpu.memory_space<semaphore_mem>>
        %dma_start3A = tpu.memref_slice %arg7[%mul3A_23] : memref<10240xi32, #tpu.memory_space<vmem>> -> memref<256xi32, #tpu.memory_space<vmem>>
        %dma_start3A_26 = arith.constant 0 : i32
        %dma_start3A_27 = arith.constant 0 : i32
        %dma_start3A_28 = tpu.memref_slice %arg2[%dma_start3A_26, %dma_start3A_27] : memref<10000x128xf32, #tpu.memory_space<hbm>> -> memref<10000x128xf32, #tpu.memory_space<hbm>>
        tpu.enqueue_indirect_dma source(%dma_start3A_28 : memref<10000x128xf32, #tpu.memory_space<hbm>>) target(%arg9 : memref<256x128xf32, #tpu.memory_space<vmem>>) offsets(%dma_start3A : memref<256xi32, #tpu.memory_space<vmem>>) semaphore(%run_scoped3A : memref<!tpu.dma_semaphore, #tpu.memory_space<semaphore_mem>>)
        %dma_wait3A = tpu.memref_slice %arg7[%mul3A_23] : memref<10240xi32, #tpu.memory_space<vmem>> -> memref<256xi32, #tpu.memory_space<vmem>>
        %dma_wait3A_29 = arith.constant 0 : i32
        %dma_wait3A_30 = arith.constant 0 : i32
        %dma_wait3A_31 = tpu.memref_slice %arg2[%dma_wait3A_29, %dma_wait3A_30] : memref<10000x128xf32, #tpu.memory_space<hbm>> -> memref<10000x128xf32, #tpu.memory_space<hbm>>
        tpu.wait_indirect_dma semaphore(%run_scoped3A : memref<!tpu.dma_semaphore, #tpu.memory_space<semaphore_mem>>) src(%dma_wait3A_31 : memref<10000x128xf32, #tpu.memory_space<hbm>>) dst(%arg9 : memref<256x128xf32, #tpu.memory_space<vmem>>)
        tpu.yield
      }) : () -> ()
      %mul3A_24 = arith.constant 256 : i32
      %mul3A_25 = arith.muli %scan3A_19, %mul3A_24 : i32
      "tpu.region"() ({
        %run_scoped3A = tpu.sem_alloc : memref<!tpu.dma_semaphore, #tpu.memory_space<semaphore_mem>>
        %dma_start3A = tpu.memref_slice %arg8[%mul3A_25] : memref<5120xi32, #tpu.memory_space<vmem>> -> memref<256xi32, #tpu.memory_space<vmem>>
        %dma_start3A_26 = arith.constant 0 : i32
        %dma_start3A_27 = arith.constant 0 : i32
        %dma_start3A_28 = tpu.memref_slice %arg10[%dma_start3A_26, %dma_start3A_27] : memref<10112x128xf32, #tpu.memory_space<vmem_shared>> -> memref<10112x128xf32, #tpu.memory_space<vmem_shared>>
        tpu.enqueue_indirect_dma source(%arg9 : memref<256x128xf32, #tpu.memory_space<vmem>>) target(%dma_start3A_28 : memref<10112x128xf32, #tpu.memory_space<vmem_shared>>) offsets(%dma_start3A : memref<256xi32, #tpu.memory_space<vmem>>) semaphore(%run_scoped3A : memref<!tpu.dma_semaphore, #tpu.memory_space<semaphore_mem>>) {add = true}
        %dma_wait3A = tpu.memref_slice %arg8[%mul3A_25] : memref<5120xi32, #tpu.memory_space<vmem>> -> memref<256xi32, #tpu.memory_space<vmem>>
        %dma_wait3A_29 = arith.constant 0 : i32
        %dma_wait3A_30 = arith.constant 0 : i32
        %dma_wait3A_31 = tpu.memref_slice %arg10[%dma_wait3A_29, %dma_wait3A_30] : memref<10112x128xf32, #tpu.memory_space<vmem_shared>> -> memref<10112x128xf32, #tpu.memory_space<vmem_shared>>
        tpu.wait_indirect_dma semaphore(%run_scoped3A : memref<!tpu.dma_semaphore, #tpu.memory_space<semaphore_mem>>) src(%arg9 : memref<256x128xf32, #tpu.memory_space<vmem>>) dst(%dma_wait3A_31 : memref<10112x128xf32, #tpu.memory_space<vmem_shared>>)
        tpu.yield
      }) : () -> ()
    }
    %scan3A_13 = arith.constant 20 : i32
    %barrier3A_14 = arith.constant 0 : index
    tpu.barrier barrier_id(%barrier3A_14)
    %mul3A_15 = arith.constant 632 : i32
    %mul3A_16 = arith.muli %arg1, %mul3A_15 : i32
    %mul3A_17 = arith.constant 632 : i32
    %mul3A_18 = arith.muli %arg1, %mul3A_17 : i32
    "tpu.region"() ({
      %run_scoped3A = tpu.sem_alloc : memref<!tpu.dma_semaphore, #tpu.memory_space<semaphore_mem>>
      %dma_start3A = arith.constant 0 : i32
      %dma_start3A_19 = tpu.memref_slice %arg6[%arg0, %mul3A_18, %dma_start3A] : memref<2x10112x128xf32, #tpu.memory_space<hbm>> -> memref<1x632x128xf32, #tpu.memory_space<hbm>>
      %dma_start3A_20 = tpu.memref_squeeze %dma_start3A_19 : memref<1x632x128xf32, #tpu.memory_space<hbm>> -> memref<632x128xf32, #tpu.memory_space<hbm>>
      %dma_start3A_21 = arith.constant 0 : i32
      %dma_start3A_22 = tpu.memref_slice %arg10[%mul3A_16, %dma_start3A_21] : memref<10112x128xf32, #tpu.memory_space<vmem_shared>> -> memref<632x128xf32, #tpu.memory_space<vmem_shared>>
      tpu.enqueue_dma source(%dma_start3A_22 : memref<632x128xf32, #tpu.memory_space<vmem_shared>>) target(%dma_start3A_20 : memref<632x128xf32, #tpu.memory_space<hbm>>) target_semaphore(%run_scoped3A : memref<!tpu.dma_semaphore, #tpu.memory_space<semaphore_mem>>)
      %dma_wait3A = arith.constant 0 : i32
      %dma_wait3A_23 = tpu.memref_slice %arg6[%arg0, %mul3A_18, %dma_wait3A] : memref<2x10112x128xf32, #tpu.memory_space<hbm>> -> memref<1x632x128xf32, #tpu.memory_space<hbm>>
      %dma_wait3A_24 = tpu.memref_squeeze %dma_wait3A_23 : memref<1x632x128xf32, #tpu.memory_space<hbm>> -> memref<632x128xf32, #tpu.memory_space<hbm>>
      %dma_wait3A_25 = arith.constant 0 : i32
      %dma_wait3A_26 = tpu.memref_slice %arg10[%mul3A_16, %dma_wait3A_25] : memref<10112x128xf32, #tpu.memory_space<vmem_shared>> -> memref<632x128xf32, #tpu.memory_space<vmem_shared>>
      tpu.wait_dma2 semaphore(%run_scoped3A : memref<!tpu.dma_semaphore, #tpu.memory_space<semaphore_mem>>) src(%dma_wait3A_26 : memref<632x128xf32, #tpu.memory_space<vmem_shared>>) dst(%dma_wait3A_24 : memref<632x128xf32, #tpu.memory_space<hbm>>)
      tpu.yield
    }) : () -> ()
    return
  }
}

#map = affine_map<(d0, d1) -> (0, 0)>
#map1 = affine_map<(d0, d1) -> (0, 0, 0)>
module attributes {stable_mosaic.version = 14 : i64} {
  func.func @_sc_scatter_body(%arg0: i32, %arg1: i32, %arg2: memref<10000x128xf32, #tpu.memory_space<hbm>>, %arg3: memref<32x10240xi32, #tpu.memory_space<hbm>>, %arg4: memref<32x10240xi32, #tpu.memory_space<hbm>>, %arg5: memref<632x128xf32, #tpu.memory_space<hbm>>, %arg6: memref<2x10112x128xf32, #tpu.memory_space<hbm>>, %arg7: memref<10240xi32, #tpu.memory_space<vmem>>, %arg8: memref<5120xi32, #tpu.memory_space<vmem>>, %arg9: memref<256x128xf32, #tpu.memory_space<vmem>>, %arg10: memref<10112x128xf32, #tpu.memory_space<vmem_shared>>, %arg11: memref<!tpu.dma_semaphore, #tpu.memory_space<semaphore_mem>>) attributes {dimension_semantics = [#tpu.dimension_semantics<core_parallel>, #tpu.dimension_semantics<subcore_parallel>], iteration_bounds = array<i64: 2, 16>, scalar_prefetch = 0 : i64, scratch_operands = 5 : i64, tpu.core_type = #tpu.core_type<sc_vector_subcore>, window_params = [{transform_indices = #map}, {transform_indices = #map}, {transform_indices = #map}, {transform_indices = #map}, {transform_indices = #map1}]} {
    %mul3A = arith.constant 16 : i32
    %mul3A_0 = arith.muli %arg0, %mul3A : i32
    %add3A = arith.addi %mul3A_0, %arg1 : i32
    "tpu.region"() ({
      %run_scoped3A = tpu.sem_alloc : memref<!tpu.dma_semaphore, #tpu.memory_space<semaphore_mem>>
      %dma_start3A = arith.constant 0 : i32
      %dma_start3A_19 = tpu.memref_slice %arg3[%add3A, %dma_start3A] : memref<32x10240xi32, #tpu.memory_space<hbm>> -> memref<1x10240xi32, #tpu.memory_space<hbm>>
      %dma_start3A_20 = tpu.memref_squeeze %dma_start3A_19 : memref<1x10240xi32, #tpu.memory_space<hbm>> -> memref<10240xi32, #tpu.memory_space<hbm>>
      %dma_start3A_21 = arith.constant 0 : i32
      %dma_start3A_22 = tpu.memref_slice %arg3[%add3A, %dma_start3A_21] : memref<32x10240xi32, #tpu.memory_space<hbm>> -> memref<1x10240xi32, #tpu.memory_space<hbm>>
      %dma_start3A_23 = tpu.memref_squeeze %dma_start3A_22 : memref<1x10240xi32, #tpu.memory_space<hbm>> -> memref<10240xi32, #tpu.memory_space<hbm>>
      tpu.enqueue_dma source(%dma_start3A_23 : memref<10240xi32, #tpu.memory_space<hbm>>) target(%arg7 : memref<10240xi32, #tpu.memory_space<vmem>>) target_semaphore(%run_scoped3A : memref<!tpu.dma_semaphore, #tpu.memory_space<semaphore_mem>>)
      %dma_wait3A = arith.constant 0 : i32
      %dma_wait3A_24 = tpu.memref_slice %arg3[%add3A, %dma_wait3A] : memref<32x10240xi32, #tpu.memory_space<hbm>> -> memref<1x10240xi32, #tpu.memory_space<hbm>>
      %dma_wait3A_25 = tpu.memref_squeeze %dma_wait3A_24 : memref<1x10240xi32, #tpu.memory_space<hbm>> -> memref<10240xi32, #tpu.memory_space<hbm>>
      %dma_wait3A_26 = arith.constant 0 : i32
      %dma_wait3A_27 = tpu.memref_slice %arg3[%add3A, %dma_wait3A_26] : memref<32x10240xi32, #tpu.memory_space<hbm>> -> memref<1x10240xi32, #tpu.memory_space<hbm>>
      %dma_wait3A_28 = tpu.memref_squeeze %dma_wait3A_27 : memref<1x10240xi32, #tpu.memory_space<hbm>> -> memref<10240xi32, #tpu.memory_space<hbm>>
      tpu.wait_dma2 semaphore(%run_scoped3A : memref<!tpu.dma_semaphore, #tpu.memory_space<semaphore_mem>>) src(%dma_wait3A_28 : memref<10240xi32, #tpu.memory_space<hbm>>) dst(%arg7 : memref<10240xi32, #tpu.memory_space<vmem>>)
      tpu.yield
    }) : () -> ()
    "tpu.region"() ({
      %run_scoped3A = tpu.sem_alloc : memref<!tpu.dma_semaphore, #tpu.memory_space<semaphore_mem>>
      %dma_start3A = arith.constant 0 : i32
      %dma_start3A_19 = tpu.memref_slice %arg4[%add3A, %dma_start3A] : memref<32x10240xi32, #tpu.memory_space<hbm>> -> memref<1x5120xi32, #tpu.memory_space<hbm>>
      %dma_start3A_20 = tpu.memref_squeeze %dma_start3A_19 : memref<1x5120xi32, #tpu.memory_space<hbm>> -> memref<5120xi32, #tpu.memory_space<hbm>>
      %dma_start3A_21 = arith.constant 0 : i32
      %dma_start3A_22 = tpu.memref_slice %arg4[%add3A, %dma_start3A_21] : memref<32x10240xi32, #tpu.memory_space<hbm>> -> memref<1x5120xi32, #tpu.memory_space<hbm>>
      %dma_start3A_23 = tpu.memref_squeeze %dma_start3A_22 : memref<1x5120xi32, #tpu.memory_space<hbm>> -> memref<5120xi32, #tpu.memory_space<hbm>>
      tpu.enqueue_dma source(%dma_start3A_23 : memref<5120xi32, #tpu.memory_space<hbm>>) target(%arg8 : memref<5120xi32, #tpu.memory_space<vmem>>) target_semaphore(%run_scoped3A : memref<!tpu.dma_semaphore, #tpu.memory_space<semaphore_mem>>)
      %dma_wait3A = arith.constant 0 : i32
      %dma_wait3A_24 = tpu.memref_slice %arg4[%add3A, %dma_wait3A] : memref<32x10240xi32, #tpu.memory_space<hbm>> -> memref<1x5120xi32, #tpu.memory_space<hbm>>
      %dma_wait3A_25 = tpu.memref_squeeze %dma_wait3A_24 : memref<1x5120xi32, #tpu.memory_space<hbm>> -> memref<5120xi32, #tpu.memory_space<hbm>>
      %dma_wait3A_26 = arith.constant 0 : i32
      %dma_wait3A_27 = tpu.memref_slice %arg4[%add3A, %dma_wait3A_26] : memref<32x10240xi32, #tpu.memory_space<hbm>> -> memref<1x5120xi32, #tpu.memory_space<hbm>>
      %dma_wait3A_28 = tpu.memref_squeeze %dma_wait3A_27 : memref<1x5120xi32, #tpu.memory_space<hbm>> -> memref<5120xi32, #tpu.memory_space<hbm>>
      tpu.wait_dma2 semaphore(%run_scoped3A : memref<!tpu.dma_semaphore, #tpu.memory_space<semaphore_mem>>) src(%dma_wait3A_28 : memref<5120xi32, #tpu.memory_space<hbm>>) dst(%arg8 : memref<5120xi32, #tpu.memory_space<vmem>>)
      tpu.yield
    }) : () -> ()
    %mul3A_1 = arith.constant 632 : i32
    %mul3A_2 = arith.muli %arg1, %mul3A_1 : i32
    "tpu.region"() ({
      %run_scoped3A = tpu.sem_alloc : memref<!tpu.dma_semaphore, #tpu.memory_space<semaphore_mem>>
      %dma_start3A = arith.constant 0 : i32
      %dma_start3A_19 = tpu.memref_slice %arg10[%mul3A_2, %dma_start3A] : memref<10112x128xf32, #tpu.memory_space<vmem_shared>> -> memref<632x128xf32, #tpu.memory_space<vmem_shared>>
      tpu.enqueue_dma source(%arg5 : memref<632x128xf32, #tpu.memory_space<hbm>>) target(%dma_start3A_19 : memref<632x128xf32, #tpu.memory_space<vmem_shared>>) target_semaphore(%run_scoped3A : memref<!tpu.dma_semaphore, #tpu.memory_space<semaphore_mem>>)
      %dma_wait3A = arith.constant 0 : i32
      %dma_wait3A_20 = tpu.memref_slice %arg10[%mul3A_2, %dma_wait3A] : memref<10112x128xf32, #tpu.memory_space<vmem_shared>> -> memref<632x128xf32, #tpu.memory_space<vmem_shared>>
      tpu.wait_dma2 semaphore(%run_scoped3A : memref<!tpu.dma_semaphore, #tpu.memory_space<semaphore_mem>>) src(%arg5 : memref<632x128xf32, #tpu.memory_space<hbm>>) dst(%dma_wait3A_20 : memref<632x128xf32, #tpu.memory_space<vmem_shared>>)
      tpu.yield
    }) : () -> ()
    %barrier3A = arith.constant 0 : index
    tpu.barrier barrier_id(%barrier3A)
    %scan3A = arith.constant 0 : i32
    %scan3A_3 = arith.constant 0 : i32
    %scan3A_4 = arith.constant 20 : i32
    %scan3A_5 = arith.addi %scan3A_3, %scan3A_4 : i32
    %scan3A_6 = arith.constant 1 : i32
    scf.for %scan3A_19 = %scan3A_3 to %scan3A_5 step %scan3A_6  : i32 {
      %add3A_20 = arith.constant 0 : i32
      %add3A_21 = arith.addi %add3A_20, %scan3A_19 : i32
      %mul3A_22 = arith.constant 256 : i32
      %mul3A_23 = arith.muli %add3A_21, %mul3A_22 : i32
      "tpu.region"() ({
        %run_scoped3A = tpu.sem_alloc : memref<!tpu.dma_semaphore, #tpu.memory_space<semaphore_mem>>
        %dma_start3A = tpu.memref_slice %arg7[%mul3A_23] : memref<10240xi32, #tpu.memory_space<vmem>> -> memref<256xi32, #tpu.memory_space<vmem>>
        %dma_start3A_26 = arith.constant 0 : i32
        %dma_start3A_27 = arith.constant 0 : i32
        %dma_start3A_28 = tpu.memref_slice %arg2[%dma_start3A_26, %dma_start3A_27] : memref<10000x128xf32, #tpu.memory_space<hbm>> -> memref<10000x128xf32, #tpu.memory_space<hbm>>
        tpu.enqueue_indirect_dma source(%dma_start3A_28 : memref<10000x128xf32, #tpu.memory_space<hbm>>) target(%arg9 : memref<256x128xf32, #tpu.memory_space<vmem>>) offsets(%dma_start3A : memref<256xi32, #tpu.memory_space<vmem>>) semaphore(%run_scoped3A : memref<!tpu.dma_semaphore, #tpu.memory_space<semaphore_mem>>)
        %dma_wait3A = tpu.memref_slice %arg7[%mul3A_23] : memref<10240xi32, #tpu.memory_space<vmem>> -> memref<256xi32, #tpu.memory_space<vmem>>
        %dma_wait3A_29 = arith.constant 0 : i32
        %dma_wait3A_30 = arith.constant 0 : i32
        %dma_wait3A_31 = tpu.memref_slice %arg2[%dma_wait3A_29, %dma_wait3A_30] : memref<10000x128xf32, #tpu.memory_space<hbm>> -> memref<10000x128xf32, #tpu.memory_space<hbm>>
        tpu.wait_indirect_dma semaphore(%run_scoped3A : memref<!tpu.dma_semaphore, #tpu.memory_space<semaphore_mem>>) src(%dma_wait3A_31 : memref<10000x128xf32, #tpu.memory_space<hbm>>) dst(%arg9 : memref<256x128xf32, #tpu.memory_space<vmem>>)
        tpu.yield
      }) : () -> ()
      %mul3A_24 = arith.constant 256 : i32
      %mul3A_25 = arith.muli %scan3A_19, %mul3A_24 : i32
      "tpu.region"() ({
        %run_scoped3A = tpu.sem_alloc : memref<!tpu.dma_semaphore, #tpu.memory_space<semaphore_mem>>
        %dma_start3A = tpu.memref_slice %arg8[%mul3A_25] : memref<5120xi32, #tpu.memory_space<vmem>> -> memref<256xi32, #tpu.memory_space<vmem>>
        %dma_start3A_26 = arith.constant 0 : i32
        %dma_start3A_27 = arith.constant 0 : i32
        %dma_start3A_28 = tpu.memref_slice %arg10[%dma_start3A_26, %dma_start3A_27] : memref<10112x128xf32, #tpu.memory_space<vmem_shared>> -> memref<10112x128xf32, #tpu.memory_space<vmem_shared>>
        tpu.enqueue_indirect_dma source(%arg9 : memref<256x128xf32, #tpu.memory_space<vmem>>) target(%dma_start3A_28 : memref<10112x128xf32, #tpu.memory_space<vmem_shared>>) offsets(%dma_start3A : memref<256xi32, #tpu.memory_space<vmem>>) semaphore(%run_scoped3A : memref<!tpu.dma_semaphore, #tpu.memory_space<semaphore_mem>>) {add = true}
        %dma_wait3A = tpu.memref_slice %arg8[%mul3A_25] : memref<5120xi32, #tpu.memory_space<vmem>> -> memref<256xi32, #tpu.memory_space<vmem>>
        %dma_wait3A_29 = arith.constant 0 : i32
        %dma_wait3A_30 = arith.constant 0 : i32
        %dma_wait3A_31 = tpu.memref_slice %arg10[%dma_wait3A_29, %dma_wait3A_30] : memref<10112x128xf32, #tpu.memory_space<vmem_shared>> -> memref<10112x128xf32, #tpu.memory_space<vmem_shared>>
        tpu.wait_indirect_dma semaphore(%run_scoped3A : memref<!tpu.dma_semaphore, #tpu.memory_space<semaphore_mem>>) src(%arg9 : memref<256x128xf32, #tpu.memory_space<vmem>>) dst(%dma_wait3A_31 : memref<10112x128xf32, #tpu.memory_space<vmem_shared>>)
        tpu.yield
      }) : () -> ()
    }
    %scan3A_7 = arith.constant 20 : i32
    "tpu.region"() ({
      %run_scoped3A = tpu.sem_alloc : memref<!tpu.dma_semaphore, #tpu.memory_space<semaphore_mem>>
      %dma_start3A = arith.constant 5120 : i32
      %dma_start3A_19 = tpu.memref_slice %arg4[%add3A, %dma_start3A] : memref<32x10240xi32, #tpu.memory_space<hbm>> -> memref<1x5120xi32, #tpu.memory_space<hbm>>
      %dma_start3A_20 = tpu.memref_squeeze %dma_start3A_19 : memref<1x5120xi32, #tpu.memory_space<hbm>> -> memref<5120xi32, #tpu.memory_space<hbm>>
      %dma_start3A_21 = arith.constant 5120 : i32
      %dma_start3A_22 = tpu.memref_slice %arg4[%add3A, %dma_start3A_21] : memref<32x10240xi32, #tpu.memory_space<hbm>> -> memref<1x5120xi32, #tpu.memory_space<hbm>>
      %dma_start3A_23 = tpu.memref_squeeze %dma_start3A_22 : memref<1x5120xi32, #tpu.memory_space<hbm>> -> memref<5120xi32, #tpu.memory_space<hbm>>
      tpu.enqueue_dma source(%dma_start3A_23 : memref<5120xi32, #tpu.memory_space<hbm>>) target(%arg8 : memref<5120xi32, #tpu.memory_space<vmem>>) target_semaphore(%run_scoped3A : memref<!tpu.dma_semaphore, #tpu.memory_space<semaphore_mem>>)
      %dma_wait3A = arith.constant 5120 : i32
      %dma_wait3A_24 = tpu.memref_slice %arg4[%add3A, %dma_wait3A] : memref<32x10240xi32, #tpu.memory_space<hbm>> -> memref<1x5120xi32, #tpu.memory_space<hbm>>
      %dma_wait3A_25 = tpu.memref_squeeze %dma_wait3A_24 : memref<1x5120xi32, #tpu.memory_space<hbm>> -> memref<5120xi32, #tpu.memory_space<hbm>>
      %dma_wait3A_26 = arith.constant 5120 : i32
      %dma_wait3A_27 = tpu.memref_slice %arg4[%add3A, %dma_wait3A_26] : memref<32x10240xi32, #tpu.memory_space<hbm>> -> memref<1x5120xi32, #tpu.memory_space<hbm>>
      %dma_wait3A_28 = tpu.memref_squeeze %dma_wait3A_27 : memref<1x5120xi32, #tpu.memory_space<hbm>> -> memref<5120xi32, #tpu.memory_space<hbm>>
      tpu.wait_dma2 semaphore(%run_scoped3A : memref<!tpu.dma_semaphore, #tpu.memory_space<semaphore_mem>>) src(%dma_wait3A_28 : memref<5120xi32, #tpu.memory_space<hbm>>) dst(%arg8 : memref<5120xi32, #tpu.memory_space<vmem>>)
      tpu.yield
    }) : () -> ()
    %scan3A_8 = arith.constant 0 : i32
    %scan3A_9 = arith.constant 0 : i32
    %scan3A_10 = arith.constant 20 : i32
    %scan3A_11 = arith.addi %scan3A_9, %scan3A_10 : i32
    %scan3A_12 = arith.constant 1 : i32
    scf.for %scan3A_19 = %scan3A_9 to %scan3A_11 step %scan3A_12  : i32 {
      %add3A_20 = arith.constant 20 : i32
      %add3A_21 = arith.addi %add3A_20, %scan3A_19 : i32
      %mul3A_22 = arith.constant 256 : i32
      %mul3A_23 = arith.muli %add3A_21, %mul3A_22 : i32
      "tpu.region"() ({
        %run_scoped3A = tpu.sem_alloc : memref<!tpu.dma_semaphore, #tpu.memory_space<semaphore_mem>>
        %dma_start3A = tpu.memref_slice %arg7[%mul3A_23] : memref<10240xi32, #tpu.memory_space<vmem>> -> memref<256xi32, #tpu.memory_space<vmem>>
        %dma_start3A_26 = arith.constant 0 : i32
        %dma_start3A_27 = arith.constant 0 : i32
        %dma_start3A_28 = tpu.memref_slice %arg2[%dma_start3A_26, %dma_start3A_27] : memref<10000x128xf32, #tpu.memory_space<hbm>> -> memref<10000x128xf32, #tpu.memory_space<hbm>>
        tpu.enqueue_indirect_dma source(%dma_start3A_28 : memref<10000x128xf32, #tpu.memory_space<hbm>>) target(%arg9 : memref<256x128xf32, #tpu.memory_space<vmem>>) offsets(%dma_start3A : memref<256xi32, #tpu.memory_space<vmem>>) semaphore(%run_scoped3A : memref<!tpu.dma_semaphore, #tpu.memory_space<semaphore_mem>>)
        %dma_wait3A = tpu.memref_slice %arg7[%mul3A_23] : memref<10240xi32, #tpu.memory_space<vmem>> -> memref<256xi32, #tpu.memory_space<vmem>>
        %dma_wait3A_29 = arith.constant 0 : i32
        %dma_wait3A_30 = arith.constant 0 : i32
        %dma_wait3A_31 = tpu.memref_slice %arg2[%dma_wait3A_29, %dma_wait3A_30] : memref<10000x128xf32, #tpu.memory_space<hbm>> -> memref<10000x128xf32, #tpu.memory_space<hbm>>
        tpu.wait_indirect_dma semaphore(%run_scoped3A : memref<!tpu.dma_semaphore, #tpu.memory_space<semaphore_mem>>) src(%dma_wait3A_31 : memref<10000x128xf32, #tpu.memory_space<hbm>>) dst(%arg9 : memref<256x128xf32, #tpu.memory_space<vmem>>)
        tpu.yield
      }) : () -> ()
      %mul3A_24 = arith.constant 256 : i32
      %mul3A_25 = arith.muli %scan3A_19, %mul3A_24 : i32
      "tpu.region"() ({
        %run_scoped3A = tpu.sem_alloc : memref<!tpu.dma_semaphore, #tpu.memory_space<semaphore_mem>>
        %dma_start3A = tpu.memref_slice %arg8[%mul3A_25] : memref<5120xi32, #tpu.memory_space<vmem>> -> memref<256xi32, #tpu.memory_space<vmem>>
        %dma_start3A_26 = arith.constant 0 : i32
        %dma_start3A_27 = arith.constant 0 : i32
        %dma_start3A_28 = tpu.memref_slice %arg10[%dma_start3A_26, %dma_start3A_27] : memref<10112x128xf32, #tpu.memory_space<vmem_shared>> -> memref<10112x128xf32, #tpu.memory_space<vmem_shared>>
        tpu.enqueue_indirect_dma source(%arg9 : memref<256x128xf32, #tpu.memory_space<vmem>>) target(%dma_start3A_28 : memref<10112x128xf32, #tpu.memory_space<vmem_shared>>) offsets(%dma_start3A : memref<256xi32, #tpu.memory_space<vmem>>) semaphore(%run_scoped3A : memref<!tpu.dma_semaphore, #tpu.memory_space<semaphore_mem>>) {add = true}
        %dma_wait3A = tpu.memref_slice %arg8[%mul3A_25] : memref<5120xi32, #tpu.memory_space<vmem>> -> memref<256xi32, #tpu.memory_space<vmem>>
        %dma_wait3A_29 = arith.constant 0 : i32
        %dma_wait3A_30 = arith.constant 0 : i32
        %dma_wait3A_31 = tpu.memref_slice %arg10[%dma_wait3A_29, %dma_wait3A_30] : memref<10112x128xf32, #tpu.memory_space<vmem_shared>> -> memref<10112x128xf32, #tpu.memory_space<vmem_shared>>
        tpu.wait_indirect_dma semaphore(%run_scoped3A : memref<!tpu.dma_semaphore, #tpu.memory_space<semaphore_mem>>) src(%arg9 : memref<256x128xf32, #tpu.memory_space<vmem>>) dst(%dma_wait3A_31 : memref<10112x128xf32, #tpu.memory_space<vmem_shared>>)
        tpu.yield
      }) : () -> ()
    }
    %scan3A_13 = arith.constant 20 : i32
    %barrier3A_14 = arith.constant 0 : index
    tpu.barrier barrier_id(%barrier3A_14)
    %mul3A_15 = arith.constant 632 : i32
    %mul3A_16 = arith.muli %arg1, %mul3A_15 : i32
    %mul3A_17 = arith.constant 632 : i32
    %mul3A_18 = arith.muli %arg1, %mul3A_17 : i32
    "tpu.region"() ({
      %run_scoped3A = tpu.sem_alloc : memref<!tpu.dma_semaphore, #tpu.memory_space<semaphore_mem>>
      %dma_start3A = arith.constant 0 : i32
      %dma_start3A_19 = tpu.memref_slice %arg6[%arg0, %mul3A_18, %dma_start3A] : memref<2x10112x128xf32, #tpu.memory_space<hbm>> -> memref<1x632x128xf32, #tpu.memory_space<hbm>>
      %dma_start3A_20 = tpu.memref_squeeze %dma_start3A_19 : memref<1x632x128xf32, #tpu.memory_space<hbm>> -> memref<632x128xf32, #tpu.memory_space<hbm>>
      %dma_start3A_21 = arith.constant 0 : i32
      %dma_start3A_22 = tpu.memref_slice %arg10[%mul3A_16, %dma_start3A_21] : memref<10112x128xf32, #tpu.memory_space<vmem_shared>> -> memref<632x128xf32, #tpu.memory_space<vmem_shared>>
      tpu.enqueue_dma source(%dma_start3A_22 : memref<632x128xf32, #tpu.memory_space<vmem_shared>>) target(%dma_start3A_20 : memref<632x128xf32, #tpu.memory_space<hbm>>) target_semaphore(%run_scoped3A : memref<!tpu.dma_semaphore, #tpu.memory_space<semaphore_mem>>)
      %dma_wait3A = arith.constant 0 : i32
      %dma_wait3A_23 = tpu.memref_slice %arg6[%arg0, %mul3A_18, %dma_wait3A] : memref<2x10112x128xf32, #tpu.memory_space<hbm>> -> memref<1x632x128xf32, #tpu.memory_space<hbm>>
      %dma_wait3A_24 = tpu.memref_squeeze %dma_wait3A_23 : memref<1x632x128xf32, #tpu.memory_space<hbm>> -> memref<632x128xf32, #tpu.memory_space<hbm>>
      %dma_wait3A_25 = arith.constant 0 : i32
      %dma_wait3A_26 = tpu.memref_slice %arg10[%mul3A_16, %dma_wait3A_25] : memref<10112x128xf32, #tpu.memory_space<vmem_shared>> -> memref<632x128xf32, #tpu.memory_space<vmem_shared>>
      tpu.wait_dma2 semaphore(%run_scoped3A : memref<!tpu.dma_semaphore, #tpu.memory_space<semaphore_mem>>) src(%dma_wait3A_26 : memref<632x128xf32, #tpu.memory_space<vmem_shared>>) dst(%dma_wait3A_24 : memref<632x128xf32, #tpu.memory_space<hbm>>)
      tpu.yield
    }) : () -> ()
    return
  }
}

module attributes {stable_mosaic.version = 14 : i64} {
  func.func @_tc_init_body(%arg0: i32, %arg1: memref<1000x128xf32, #tpu.memory_space<vmem>>, %arg2: memref<128x128xf32, #tpu.memory_space<vmem>>, %arg3: memref<1x128xf32, #tpu.memory_space<vmem>>, %arg4: memref<128x128xf32, #tpu.memory_space<vmem>>, %arg5: memref<1000x128xf32, #tpu.memory_space<vmem>>, %arg6: memref<1000x128xf32, #tpu.memory_space<vmem>>) attributes {dimension_semantics = [#tpu.dimension_semantics<arbitrary>], iteration_bounds = array<i64: 10>, scalar_prefetch = 0 : i64, scratch_operands = 0 : i64, tpu.core_type = #tpu.core_type<tc>, window_params = [{transform_indices = @transform_0, window_bounds = array<i64: 1000, 128>}, {pipeline_mode = #tpu.pipeline_mode<synchronous>, transform_indices = @transform_1, window_bounds = array<i64: 128, 128>}, {pipeline_mode = #tpu.pipeline_mode<synchronous>, transform_indices = @transform_2, window_bounds = array<i64: 1, 128>}, {pipeline_mode = #tpu.pipeline_mode<synchronous>, transform_indices = @transform_3, window_bounds = array<i64: 128, 128>}, {transform_indices = @transform_4, window_bounds = array<i64: 1000, 128>}, {transform_indices = @transform_5, window_bounds = array<i64: 1000, 128>}]} {
    %get3A = arith.constant 0 : index
    %get3A_0 = arith.constant 0 : index
    %get3A_1 = vector.load %arg1[%get3A, %get3A_0] : memref<1000x128xf32, #tpu.memory_space<vmem>>, vector<1000x128xf32>
    %get3A_2 = arith.constant 0 : index
    %get3A_3 = arith.constant 0 : index
    %get3A_4 = vector.load %arg2[%get3A_2, %get3A_3] : memref<128x128xf32, #tpu.memory_space<vmem>>, vector<128x128xf32>
    %dot_general3A = arith.constant dense<0.000000e+00> : vector<1000x128xf32>
    %dot_general3A_5 = tpu.matmul %get3A_1, %get3A_4, %dot_general3A {dimension_numbers = #tpu.dot_dimension_numbers<[1], [0], [0], [1], [0, 0, 1, 1], [], []>, transpose_lhs_hint = false} : vector<1000x128xf32>, vector<128x128xf32>, vector<1000x128xf32> -> vector<1000x128xf32>
    %get3A_6 = arith.constant 0 : index
    %get3A_7 = arith.constant 0 : index
    %get3A_8 = vector.load %arg3[%get3A_6, %get3A_7] : memref<1x128xf32, #tpu.memory_space<vmem>>, vector<1x128xf32>
    %add3A = vector.broadcast %get3A_8 : vector<1x128xf32> to vector<1000x128xf32>
    %add3A_9 = arith.addf %dot_general3A_5, %add3A : vector<1000x128xf32>
    %max3A = arith.constant 0.000000e+00 : f32
    %max3A_10 = vector.broadcast %max3A : f32 to vector<1000x128xf32>
    %max3A_11 = arith.maximumf %add3A_9, %max3A_10 : vector<1000x128xf32>
    %swap3A = arith.constant 0 : index
    %swap3A_12 = arith.constant 0 : index
    %swap3A_13 = vector.load %arg5[%swap3A, %swap3A_12] : memref<1000x128xf32, #tpu.memory_space<vmem>>, vector<1000x128xf32>
    tpu.vector_store %arg5[%swap3A, %swap3A_12], %max3A_11 {strides = array<i32>} : memref<1000x128xf32, #tpu.memory_space<vmem>>, vector<1000x128xf32>,
    %get3A_14 = arith.constant 0 : index
    %get3A_15 = arith.constant 0 : index
    %get3A_16 = vector.load %arg4[%get3A_14, %get3A_15] : memref<128x128xf32, #tpu.memory_space<vmem>>, vector<128x128xf32>
    %dot_general3A_17 = arith.constant dense<0.000000e+00> : vector<1000x128xf32>
    %dot_general3A_18 = tpu.matmul %max3A_11, %get3A_16, %dot_general3A_17 {dimension_numbers = #tpu.dot_dimension_numbers<[1], [0], [0], [1], [0, 0, 1, 1], [], []>, transpose_lhs_hint = false} : vector<1000x128xf32>, vector<128x128xf32>, vector<1000x128xf32> -> vector<1000x128xf32>
    %swap3A_19 = arith.constant 0 : index
    %swap3A_20 = arith.constant 0 : index
    %swap3A_21 = vector.load %arg6[%swap3A_19, %swap3A_20] : memref<1000x128xf32, #tpu.memory_space<vmem>>, vector<1000x128xf32>
    tpu.vector_store %arg6[%swap3A_19, %swap3A_20], %dot_general3A_18 {strides = array<i32>} : memref<1000x128xf32, #tpu.memory_space<vmem>>, vector<1000x128xf32>,
    return
  }
  func.func @transform_0(%arg0: i32) -> (i32, i32) {
    %c0_i32 = arith.constant 0 : i32
    %c0_i32_0 = arith.constant 0 : i32
    return %arg0, %c0_i32 : i32, i32
  }
  func.func @transform_1(%arg0: i32) -> (i32, i32) {
    %c0_i32 = arith.constant 0 : i32
    %c0_i32_0 = arith.constant 0 : i32
    %c0_i32_1 = arith.constant 0 : i32
    return %c0_i32, %c0_i32_0 : i32, i32
  }
  func.func @transform_2(%arg0: i32) -> (i32, i32) {
    %c0_i32 = arith.constant 0 : i32
    %c0_i32_0 = arith.constant 0 : i32
    %c0_i32_1 = arith.constant 0 : i32
    return %c0_i32, %c0_i32_0 : i32, i32
  }
  func.func @transform_3(%arg0: i32) -> (i32, i32) {
    %c0_i32 = arith.constant 0 : i32
    %c0_i32_0 = arith.constant 0 : i32
    %c0_i32_1 = arith.constant 0 : i32
    return %c0_i32, %c0_i32_0 : i32, i32
  }
  func.func @transform_4(%arg0: i32) -> (i32, i32) {
    %c0_i32 = arith.constant 0 : i32
    %c0_i32_0 = arith.constant 0 : i32
    return %arg0, %c0_i32 : i32, i32
  }
  func.func @transform_5(%arg0: i32) -> (i32, i32) {
    %c0_i32 = arith.constant 0 : i32
    %c0_i32_0 = arith.constant 0 : i32
    return %arg0, %c0_i32 : i32, i32
  }
}

module attributes {stable_mosaic.version = 14 : i64} {
  func.func @_tc_gru_body(%arg0: i32, %arg1: memref<2x1000x128xf32, #tpu.memory_space<vmem>>, %arg2: memref<1000x128xf32, #tpu.memory_space<vmem>>, %arg3: memref<128x384xf32, #tpu.memory_space<vmem>>, %arg4: memref<128x384xf32, #tpu.memory_space<vmem>>, %arg5: memref<1x384xf32, #tpu.memory_space<vmem>>, %arg6: memref<1x384xf32, #tpu.memory_space<vmem>>, %arg7: memref<128x128xf32, #tpu.memory_space<vmem>>, %arg8: memref<1000x128xf32, #tpu.memory_space<vmem>>, %arg9: memref<1000x128xf32, #tpu.memory_space<vmem>>) attributes {dimension_semantics = [#tpu.dimension_semantics<arbitrary>], iteration_bounds = array<i64: 10>, scalar_prefetch = 0 : i64, scratch_operands = 0 : i64, tpu.core_type = #tpu.core_type<tc>, window_params = [{transform_indices = @transform_0, window_bounds = array<i64: 2, 1000, 128>}, {transform_indices = @transform_1, window_bounds = array<i64: 1000, 128>}, {pipeline_mode = #tpu.pipeline_mode<synchronous>, transform_indices = @transform_2, window_bounds = array<i64: 128, 384>}, {pipeline_mode = #tpu.pipeline_mode<synchronous>, transform_indices = @transform_3, window_bounds = array<i64: 128, 384>}, {pipeline_mode = #tpu.pipeline_mode<synchronous>, transform_indices = @transform_4, window_bounds = array<i64: 1, 384>}, {pipeline_mode = #tpu.pipeline_mode<synchronous>, transform_indices = @transform_5, window_bounds = array<i64: 1, 384>}, {pipeline_mode = #tpu.pipeline_mode<synchronous>, transform_indices = @transform_6, window_bounds = array<i64: 128, 128>}, {transform_indices = @transform_7, window_bounds = array<i64: 1000, 128>}, {transform_indices = @transform_8, window_bounds = array<i64: 1000, 128>}]} {
    %get3A = arith.constant 0 : index
    %get3A_0 = arith.constant 0 : index
    %get3A_1 = arith.constant 0 : index
    %get3A_2 = vector.load %arg1[%get3A, %get3A_0, %get3A_1] : memref<2x1000x128xf32, #tpu.memory_space<vmem>>, vector<1x1000x128xf32>
    %get3A_3 = vector.shape_cast %get3A_2 : vector<1x1000x128xf32> to vector<1000x128xf32>
    %get3A_4 = arith.constant 1 : index
    %get3A_5 = arith.constant 0 : index
    %get3A_6 = arith.constant 0 : index
    %get3A_7 = vector.load %arg1[%get3A_4, %get3A_5, %get3A_6] : memref<2x1000x128xf32, #tpu.memory_space<vmem>>, vector<1x1000x128xf32>
    %get3A_8 = vector.shape_cast %get3A_7 : vector<1x1000x128xf32> to vector<1000x128xf32>
    %add3A = arith.addf %get3A_3, %get3A_8 : vector<1000x128xf32>
    %get3A_9 = arith.constant 0 : index
    %get3A_10 = arith.constant 0 : index
    %get3A_11 = vector.load %arg3[%get3A_9, %get3A_10] : memref<128x384xf32, #tpu.memory_space<vmem>>, vector<128x384xf32>
    %dot_general3A = arith.constant dense<0.000000e+00> : vector<1000x384xf32>
    %dot_general3A_12 = tpu.matmul %add3A, %get3A_11, %dot_general3A {dimension_numbers = #tpu.dot_dimension_numbers<[1], [0], [0], [1], [0, 0, 1, 1], [], []>, transpose_lhs_hint = false} : vector<1000x128xf32>, vector<128x384xf32>, vector<1000x384xf32> -> vector<1000x384xf32>
    %get3A_13 = arith.constant 0 : index
    %get3A_14 = arith.constant 0 : index
    %get3A_15 = vector.load %arg5[%get3A_13, %get3A_14] : memref<1x384xf32, #tpu.memory_space<vmem>>, vector<1x384xf32>
    %add3A_16 = vector.broadcast %get3A_15 : vector<1x384xf32> to vector<1000x384xf32>
    %add3A_17 = arith.addf %dot_general3A_12, %add3A_16 : vector<1000x384xf32>
    %get3A_18 = arith.constant 0 : index
    %get3A_19 = arith.constant 0 : index
    %get3A_20 = vector.load %arg2[%get3A_18, %get3A_19] : memref<1000x128xf32, #tpu.memory_space<vmem>>, vector<1000x128xf32>
    %get3A_21 = arith.constant 0 : index
    %get3A_22 = arith.constant 0 : index
    %get3A_23 = vector.load %arg4[%get3A_21, %get3A_22] : memref<128x384xf32, #tpu.memory_space<vmem>>, vector<128x384xf32>
    %dot_general3A_24 = arith.constant dense<0.000000e+00> : vector<1000x384xf32>
    %dot_general3A_25 = tpu.matmul %get3A_20, %get3A_23, %dot_general3A_24 {dimension_numbers = #tpu.dot_dimension_numbers<[1], [0], [0], [1], [0, 0, 1, 1], [], []>, transpose_lhs_hint = false} : vector<1000x128xf32>, vector<128x384xf32>, vector<1000x384xf32> -> vector<1000x384xf32>
    %get3A_26 = arith.constant 0 : index
    %get3A_27 = arith.constant 0 : index
    %get3A_28 = vector.load %arg6[%get3A_26, %get3A_27] : memref<1x384xf32, #tpu.memory_space<vmem>>, vector<1x384xf32>
    %add3A_29 = vector.broadcast %get3A_28 : vector<1x384xf32> to vector<1000x384xf32>
    %add3A_30 = arith.addf %dot_general3A_25, %add3A_29 : vector<1000x384xf32>
    %get3A_31 = arith.constant 0 : index
    %get3A_32 = arith.constant 0 : index
    %get3A_33 = vector.load %arg2[%get3A_31, %get3A_32] : memref<1000x128xf32, #tpu.memory_space<vmem>>, vector<1000x128xf32>
    %slice3A = vector.extract_strided_slice %add3A_17 {offsets = [0, 0], sizes = [1000, 128], strides = [1, 1]} : vector<1000x384xf32> to vector<1000x128xf32>
    %slice3A_34 = vector.extract_strided_slice %add3A_30 {offsets = [0, 0], sizes = [1000, 128], strides = [1, 1]} : vector<1000x384xf32> to vector<1000x128xf32>
    %add3A_35 = arith.addf %slice3A, %slice3A_34 : vector<1000x128xf32>
    %logistic3A = arith.negf %add3A_35 : vector<1000x128xf32>
    %logistic3A_36 = math.exp %logistic3A : vector<1000x128xf32>
    %logistic3A_37 = arith.constant 1.000000e+00 : f32
    %logistic3A_38 = vector.broadcast %logistic3A_37 : f32 to vector<1000x128xf32>
    %logistic3A_39 = arith.addf %logistic3A_38, %logistic3A_36 : vector<1000x128xf32>
    %logistic3A_40 = arith.divf %logistic3A_38, %logistic3A_39 : vector<1000x128xf32>
    %slice3A_41 = vector.extract_strided_slice %add3A_17 {offsets = [0, 128], sizes = [1000, 128], strides = [1, 1]} : vector<1000x384xf32> to vector<1000x128xf32>
    %slice3A_42 = vector.extract_strided_slice %add3A_30 {offsets = [0, 128], sizes = [1000, 128], strides = [1, 1]} : vector<1000x384xf32> to vector<1000x128xf32>
    %add3A_43 = arith.addf %slice3A_41, %slice3A_42 : vector<1000x128xf32>
    %logistic3A_44 = arith.negf %add3A_43 : vector<1000x128xf32>
    %logistic3A_45 = math.exp %logistic3A_44 : vector<1000x128xf32>
    %logistic3A_46 = arith.constant 1.000000e+00 : f32
    %logistic3A_47 = vector.broadcast %logistic3A_46 : f32 to vector<1000x128xf32>
    %logistic3A_48 = arith.addf %logistic3A_47, %logistic3A_45 : vector<1000x128xf32>
    %logistic3A_49 = arith.divf %logistic3A_47, %logistic3A_48 : vector<1000x128xf32>
    %slice3A_50 = vector.extract_strided_slice %add3A_17 {offsets = [0, 256], sizes = [1000, 128], strides = [1, 1]} : vector<1000x384xf32> to vector<1000x128xf32>
    %slice3A_51 = vector.extract_strided_slice %add3A_30 {offsets = [0, 256], sizes = [1000, 128], strides = [1, 1]} : vector<1000x384xf32> to vector<1000x128xf32>
    %mul3A = arith.mulf %logistic3A_40, %slice3A_51 : vector<1000x128xf32>
    %add3A_52 = arith.addf %slice3A_50, %mul3A : vector<1000x128xf32>
    %tanh3A = math.tanh %add3A_52 : vector<1000x128xf32>
    %sub3A = arith.constant 1.000000e+00 : f32
    %sub3A_53 = vector.broadcast %sub3A : f32 to vector<1000x128xf32>
    %sub3A_54 = arith.subf %sub3A_53, %logistic3A_49 : vector<1000x128xf32>
    %mul3A_55 = arith.mulf %sub3A_54, %tanh3A : vector<1000x128xf32>
    %mul3A_56 = arith.mulf %logistic3A_49, %get3A_33 : vector<1000x128xf32>
    %add3A_57 = arith.addf %mul3A_55, %mul3A_56 : vector<1000x128xf32>
    %swap3A = arith.constant 0 : index
    %swap3A_58 = arith.constant 0 : index
    %swap3A_59 = vector.load %arg8[%swap3A, %swap3A_58] : memref<1000x128xf32, #tpu.memory_space<vmem>>, vector<1000x128xf32>
    tpu.vector_store %arg8[%swap3A, %swap3A_58], %add3A_57 {strides = array<i32>} : memref<1000x128xf32, #tpu.memory_space<vmem>>, vector<1000x128xf32>,
    %get3A_60 = arith.constant 0 : index
    %get3A_61 = arith.constant 0 : index
    %get3A_62 = vector.load %arg7[%get3A_60, %get3A_61] : memref<128x128xf32, #tpu.memory_space<vmem>>, vector<128x128xf32>
    %dot_general3A_63 = arith.constant dense<0.000000e+00> : vector<1000x128xf32>
    %dot_general3A_64 = tpu.matmul %add3A_57, %get3A_62, %dot_general3A_63 {dimension_numbers = #tpu.dot_dimension_numbers<[1], [0], [0], [1], [0, 0, 1, 1], [], []>, transpose_lhs_hint = false} : vector<1000x128xf32>, vector<128x128xf32>, vector<1000x128xf32> -> vector<1000x128xf32>
    %swap3A_65 = arith.constant 0 : index
    %swap3A_66 = arith.constant 0 : index
    %swap3A_67 = vector.load %arg9[%swap3A_65, %swap3A_66] : memref<1000x128xf32, #tpu.memory_space<vmem>>, vector<1000x128xf32>
    tpu.vector_store %arg9[%swap3A_65, %swap3A_66], %dot_general3A_64 {strides = array<i32>} : memref<1000x128xf32, #tpu.memory_space<vmem>>, vector<1000x128xf32>,
    return
  }
  func.func @transform_0(%arg0: i32) -> (i32, i32, i32) {
    %c0_i32 = arith.constant 0 : i32
    %c0_i32_0 = arith.constant 0 : i32
    %c0_i32_1 = arith.constant 0 : i32
    return %c0_i32, %arg0, %c0_i32_0 : i32, i32, i32
  }
  func.func @transform_1(%arg0: i32) -> (i32, i32) {
    %c0_i32 = arith.constant 0 : i32
    %c0_i32_0 = arith.constant 0 : i32
    return %arg0, %c0_i32 : i32, i32
  }
  func.func @transform_2(%arg0: i32) -> (i32, i32) {
    %c0_i32 = arith.constant 0 : i32
    %c0_i32_0 = arith.constant 0 : i32
    %c0_i32_1 = arith.constant 0 : i32
    return %c0_i32, %c0_i32_0 : i32, i32
  }
  func.func @transform_3(%arg0: i32) -> (i32, i32) {
    %c0_i32 = arith.constant 0 : i32
    %c0_i32_0 = arith.constant 0 : i32
    %c0_i32_1 = arith.constant 0 : i32
    return %c0_i32, %c0_i32_0 : i32, i32
  }
  func.func @transform_4(%arg0: i32) -> (i32, i32) {
    %c0_i32 = arith.constant 0 : i32
    %c0_i32_0 = arith.constant 0 : i32
    %c0_i32_1 = arith.constant 0 : i32
    return %c0_i32, %c0_i32_0 : i32, i32
  }
  func.func @transform_5(%arg0: i32) -> (i32, i32) {
    %c0_i32 = arith.constant 0 : i32
    %c0_i32_0 = arith.constant 0 : i32
    %c0_i32_1 = arith.constant 0 : i32
    return %c0_i32, %c0_i32_0 : i32, i32
  }
  func.func @transform_6(%arg0: i32) -> (i32, i32) {
    %c0_i32 = arith.constant 0 : i32
    %c0_i32_0 = arith.constant 0 : i32
    %c0_i32_1 = arith.constant 0 : i32
    return %c0_i32, %c0_i32_0 : i32, i32
  }
  func.func @transform_7(%arg0: i32) -> (i32, i32) {
    %c0_i32 = arith.constant 0 : i32
    %c0_i32_0 = arith.constant 0 : i32
    return %arg0, %c0_i32 : i32, i32
  }
  func.func @transform_8(%arg0: i32) -> (i32, i32) {
    %c0_i32 = arith.constant 0 : i32
    %c0_i32_0 = arith.constant 0 : i32
    return %arg0, %c0_i32 : i32, i32
  }
}

module attributes {stable_mosaic.version = 14 : i64} {
  func.func @_tc_tail_body(%arg0: i32, %arg1: memref<2x1000x128xf32, #tpu.memory_space<vmem>>, %arg2: memref<1000x128xf32, #tpu.memory_space<vmem>>, %arg3: memref<128x384xf32, #tpu.memory_space<vmem>>, %arg4: memref<128x384xf32, #tpu.memory_space<vmem>>, %arg5: memref<1x384xf32, #tpu.memory_space<vmem>>, %arg6: memref<1x384xf32, #tpu.memory_space<vmem>>, %arg7: memref<1x1x1000xi32, #tpu.memory_space<vmem>>, %arg8: memref<128x128xf32, #tpu.memory_space<vmem>>, %arg9: memref<1x128xf32, #tpu.memory_space<vmem>>, %arg10: memref<128x128xf32, #tpu.memory_space<vmem>>, %arg11: memref<1x128xf32, #tpu.memory_space<vmem>>, %arg12: memref<64x128xf32, #tpu.memory_space<vmem>>, %arg13: memref<64x128xf32, #tpu.memory_space<vmem>>, %arg14: memref<64x1xf32, #tpu.memory_space<vmem>>) attributes {dimension_semantics = [#tpu.dimension_semantics<arbitrary>], iteration_bounds = array<i64: 10>, scalar_prefetch = 0 : i64, scratch_operands = 2 : i64, tpu.core_type = #tpu.core_type<tc>, window_params = [{transform_indices = @transform_0, window_bounds = array<i64: 2, 1000, 128>}, {transform_indices = @transform_1, window_bounds = array<i64: 1000, 128>}, {pipeline_mode = #tpu.pipeline_mode<synchronous>, transform_indices = @transform_2, window_bounds = array<i64: 128, 384>}, {pipeline_mode = #tpu.pipeline_mode<synchronous>, transform_indices = @transform_3, window_bounds = array<i64: 128, 384>}, {pipeline_mode = #tpu.pipeline_mode<synchronous>, transform_indices = @transform_4, window_bounds = array<i64: 1, 384>}, {pipeline_mode = #tpu.pipeline_mode<synchronous>, transform_indices = @transform_5, window_bounds = array<i64: 1, 384>}, {transform_indices = @transform_6, window_bounds = array<i64: 1, 1, 1000>}, {pipeline_mode = #tpu.pipeline_mode<synchronous>, transform_indices = @transform_7, window_bounds = array<i64: 128, 128>}, {pipeline_mode = #tpu.pipeline_mode<synchronous>, transform_indices = @transform_8, window_bounds = array<i64: 1, 128>}, {pipeline_mode = #tpu.pipeline_mode<synchronous>, transform_indices = @transform_9, window_bounds = array<i64: 128, 128>}, {pipeline_mode = #tpu.pipeline_mode<synchronous>, transform_indices = @transform_10, window_bounds = array<i64: 1, 128>}, {pipeline_mode = #tpu.pipeline_mode<synchronous>, transform_indices = @transform_11, window_bounds = array<i64: 64, 128>}]} {
    %get3A = arith.constant 0 : index
    %get3A_0 = arith.constant 0 : index
    %get3A_1 = arith.constant 0 : index
    %get3A_2 = vector.load %arg1[%get3A, %get3A_0, %get3A_1] : memref<2x1000x128xf32, #tpu.memory_space<vmem>>, vector<1x1000x128xf32>
    %get3A_3 = vector.shape_cast %get3A_2 : vector<1x1000x128xf32> to vector<1000x128xf32>
    %get3A_4 = arith.constant 1 : index
    %get3A_5 = arith.constant 0 : index
    %get3A_6 = arith.constant 0 : index
    %get3A_7 = vector.load %arg1[%get3A_4, %get3A_5, %get3A_6] : memref<2x1000x128xf32, #tpu.memory_space<vmem>>, vector<1x1000x128xf32>
    %get3A_8 = vector.shape_cast %get3A_7 : vector<1x1000x128xf32> to vector<1000x128xf32>
    %add3A = arith.addf %get3A_3, %get3A_8 : vector<1000x128xf32>
    %get3A_9 = arith.constant 0 : index
    %get3A_10 = arith.constant 0 : index
    %get3A_11 = vector.load %arg3[%get3A_9, %get3A_10] : memref<128x384xf32, #tpu.memory_space<vmem>>, vector<128x384xf32>
    %dot_general3A = arith.constant dense<0.000000e+00> : vector<1000x384xf32>
    %dot_general3A_12 = tpu.matmul %add3A, %get3A_11, %dot_general3A {dimension_numbers = #tpu.dot_dimension_numbers<[1], [0], [0], [1], [0, 0, 1, 1], [], []>, transpose_lhs_hint = false} : vector<1000x128xf32>, vector<128x384xf32>, vector<1000x384xf32> -> vector<1000x384xf32>
    %get3A_13 = arith.constant 0 : index
    %get3A_14 = arith.constant 0 : index
    %get3A_15 = vector.load %arg5[%get3A_13, %get3A_14] : memref<1x384xf32, #tpu.memory_space<vmem>>, vector<1x384xf32>
    %add3A_16 = vector.broadcast %get3A_15 : vector<1x384xf32> to vector<1000x384xf32>
    %add3A_17 = arith.addf %dot_general3A_12, %add3A_16 : vector<1000x384xf32>
    %get3A_18 = arith.constant 0 : index
    %get3A_19 = arith.constant 0 : index
    %get3A_20 = vector.load %arg2[%get3A_18, %get3A_19] : memref<1000x128xf32, #tpu.memory_space<vmem>>, vector<1000x128xf32>
    %get3A_21 = arith.constant 0 : index
    %get3A_22 = arith.constant 0 : index
    %get3A_23 = vector.load %arg4[%get3A_21, %get3A_22] : memref<128x384xf32, #tpu.memory_space<vmem>>, vector<128x384xf32>
    %dot_general3A_24 = arith.constant dense<0.000000e+00> : vector<1000x384xf32>
    %dot_general3A_25 = tpu.matmul %get3A_20, %get3A_23, %dot_general3A_24 {dimension_numbers = #tpu.dot_dimension_numbers<[1], [0], [0], [1], [0, 0, 1, 1], [], []>, transpose_lhs_hint = false} : vector<1000x128xf32>, vector<128x384xf32>, vector<1000x384xf32> -> vector<1000x384xf32>
    %get3A_26 = arith.constant 0 : index
    %get3A_27 = arith.constant 0 : index
    %get3A_28 = vector.load %arg6[%get3A_26, %get3A_27] : memref<1x384xf32, #tpu.memory_space<vmem>>, vector<1x384xf32>
    %add3A_29 = vector.broadcast %get3A_28 : vector<1x384xf32> to vector<1000x384xf32>
    %add3A_30 = arith.addf %dot_general3A_25, %add3A_29 : vector<1000x384xf32>
    %get3A_31 = arith.constant 0 : index
    %get3A_32 = arith.constant 0 : index
    %get3A_33 = vector.load %arg2[%get3A_31, %get3A_32] : memref<1000x128xf32, #tpu.memory_space<vmem>>, vector<1000x128xf32>
    %slice3A = vector.extract_strided_slice %add3A_17 {offsets = [0, 0], sizes = [1000, 128], strides = [1, 1]} : vector<1000x384xf32> to vector<1000x128xf32>
    %slice3A_34 = vector.extract_strided_slice %add3A_30 {offsets = [0, 0], sizes = [1000, 128], strides = [1, 1]} : vector<1000x384xf32> to vector<1000x128xf32>
    %add3A_35 = arith.addf %slice3A, %slice3A_34 : vector<1000x128xf32>
    %logistic3A = arith.negf %add3A_35 : vector<1000x128xf32>
    %logistic3A_36 = math.exp %logistic3A : vector<1000x128xf32>
    %logistic3A_37 = arith.constant 1.000000e+00 : f32
    %logistic3A_38 = vector.broadcast %logistic3A_37 : f32 to vector<1000x128xf32>
    %logistic3A_39 = arith.addf %logistic3A_38, %logistic3A_36 : vector<1000x128xf32>
    %logistic3A_40 = arith.divf %logistic3A_38, %logistic3A_39 : vector<1000x128xf32>
    %slice3A_41 = vector.extract_strided_slice %add3A_17 {offsets = [0, 128], sizes = [1000, 128], strides = [1, 1]} : vector<1000x384xf32> to vector<1000x128xf32>
    %slice3A_42 = vector.extract_strided_slice %add3A_30 {offsets = [0, 128], sizes = [1000, 128], strides = [1, 1]} : vector<1000x384xf32> to vector<1000x128xf32>
    %add3A_43 = arith.addf %slice3A_41, %slice3A_42 : vector<1000x128xf32>
    %logistic3A_44 = arith.negf %add3A_43 : vector<1000x128xf32>
    %logistic3A_45 = math.exp %logistic3A_44 : vector<1000x128xf32>
    %logistic3A_46 = arith.constant 1.000000e+00 : f32
    %logistic3A_47 = vector.broadcast %logistic3A_46 : f32 to vector<1000x128xf32>
    %logistic3A_48 = arith.addf %logistic3A_47, %logistic3A_45 : vector<1000x128xf32>
    %logistic3A_49 = arith.divf %logistic3A_47, %logistic3A_48 : vector<1000x128xf32>
    %slice3A_50 = vector.extract_strided_slice %add3A_17 {offsets = [0, 256], sizes = [1000, 128], strides = [1, 1]} : vector<1000x384xf32> to vector<1000x128xf32>
    %slice3A_51 = vector.extract_strided_slice %add3A_30 {offsets = [0, 256], sizes = [1000, 128], strides = [1, 1]} : vector<1000x384xf32> to vector<1000x128xf32>
    %mul3A = arith.mulf %logistic3A_40, %slice3A_51 : vector<1000x128xf32>
    %add3A_52 = arith.addf %slice3A_50, %mul3A : vector<1000x128xf32>
    %tanh3A = math.tanh %add3A_52 : vector<1000x128xf32>
    %sub3A = arith.constant 1.000000e+00 : f32
    %sub3A_53 = vector.broadcast %sub3A : f32 to vector<1000x128xf32>
    %sub3A_54 = arith.subf %sub3A_53, %logistic3A_49 : vector<1000x128xf32>
    %mul3A_55 = arith.mulf %sub3A_54, %tanh3A : vector<1000x128xf32>
    %mul3A_56 = arith.mulf %logistic3A_49, %get3A_33 : vector<1000x128xf32>
    %add3A_57 = arith.addf %mul3A_55, %mul3A_56 : vector<1000x128xf32>
    %get3A_58 = arith.constant 0 : index
    %get3A_59 = arith.constant 0 : index
    %get3A_60 = arith.constant 0 : index
    %get3A_61 = vector.load %arg7[%get3A_58, %get3A_59, %get3A_60] : memref<1x1x1000xi32, #tpu.memory_space<vmem>>, vector<1x1x1000xi32>
    %get3A_62 = vector.shape_cast %get3A_61 : vector<1x1x1000xi32> to vector<1x1000xi32>
    %iota3A = tpu.iota {dimensions = array<i32: 0>} : vector<64x1000xi32>
    %eq3A = vector.broadcast %get3A_62 : vector<1x1000xi32> to vector<64x1000xi32>
    %eq3A_63 = arith.cmpi eq, %iota3A, %eq3A : vector<64x1000xi32>
    %jit3A = arith.constant 1.000000e+00 : f32
    %jit3A_64 = arith.constant 0.000000e+00 : f32
    %broadcast_in_dim3A = vector.broadcast %jit3A : f32 to vector<64x1000xf32>
    %broadcast_in_dim3A_65 = vector.broadcast %jit3A_64 : f32 to vector<64x1000xf32>
    %select_n3A = arith.select %eq3A_63, %broadcast_in_dim3A, %broadcast_in_dim3A_65 : vector<64x1000xi1>, vector<64x1000xf32>
    %dot_general3A_66 = arith.constant dense<0.000000e+00> : vector<64x128xf32>
    %dot_general3A_67 = tpu.matmul %select_n3A, %add3A_57, %dot_general3A_66 {dimension_numbers = #tpu.dot_dimension_numbers<[1], [0], [0], [1], [0, 0, 1, 1], [], []>, transpose_lhs_hint = false} : vector<64x1000xf32>, vector<1000x128xf32>, vector<64x128xf32> -> vector<64x128xf32>
    %reduce_sum3A = arith.constant dense<0.000000e+00> : vector<64xf32>
    %reduce_sum3A_68 = vector.multi_reduction <add>, %select_n3A, %reduce_sum3A [1] : vector<64x1000xf32> to vector<64xf32>
    %broadcast_in_dim3A_69 = vector.shape_cast %reduce_sum3A_68 : vector<64xf32> to vector<64x1xf32>
    %eq3A_70 = arith.constant 0 : i32
    %eq3A_71 = arith.cmpi eq, %arg0, %eq3A_70 : i32
    %convert_element_type3A = arith.extui %eq3A_71 : i1 to i32
    %cond3A = arith.constant 0 : i32
    %cond3A_72 = arith.cmpi ne, %convert_element_type3A, %cond3A : i32
    scf.if %cond3A_72 {
      %broadcast_in_dim3A_91 = arith.constant 0.000000e+00 : f32
      %broadcast_in_dim3A_92 = vector.broadcast %broadcast_in_dim3A_91 : f32 to vector<64x128xf32>
      %swap3A_93 = arith.constant 0 : index
      %swap3A_94 = arith.constant 0 : index
      %swap3A_95 = vector.load %arg13[%swap3A_93, %swap3A_94] : memref<64x128xf32, #tpu.memory_space<vmem>>, vector<64x128xf32>
      tpu.vector_store %arg13[%swap3A_93, %swap3A_94], %broadcast_in_dim3A_92 {strides = array<i32>} : memref<64x128xf32, #tpu.memory_space<vmem>>, vector<64x128xf32>,
      %broadcast_in_dim3A_96 = arith.constant 0.000000e+00 : f32
      %broadcast_in_dim3A_97 = vector.broadcast %broadcast_in_dim3A_96 : f32 to vector<64x1xf32>
      %swap3A_98 = arith.constant 0 : index
      %swap3A_99 = arith.constant 0 : index
      %swap3A_100 = vector.load %arg14[%swap3A_98, %swap3A_99] : memref<64x1xf32, #tpu.memory_space<vmem>>, vector<64x1xf32>
      tpu.vector_store %arg14[%swap3A_98, %swap3A_99], %broadcast_in_dim3A_97 {strides = array<i32>} : memref<64x1xf32, #tpu.memory_space<vmem>>, vector<64x1xf32>,
    } else {
    }
    %get3A_73 = arith.constant 0 : index
    %get3A_74 = arith.constant 0 : index
    %get3A_75 = vector.load %arg13[%get3A_73, %get3A_74] : memref<64x128xf32, #tpu.memory_space<vmem>>, vector<64x128xf32>
    %add3A_76 = arith.addf %get3A_75, %dot_general3A_67 : vector<64x128xf32>
    %swap3A = arith.constant 0 : index
    %swap3A_77 = arith.constant 0 : index
    %swap3A_78 = vector.load %arg13[%swap3A, %swap3A_77] : memref<64x128xf32, #tpu.memory_space<vmem>>, vector<64x128xf32>
    tpu.vector_store %arg13[%swap3A, %swap3A_77], %add3A_76 {strides = array<i32>} : memref<64x128xf32, #tpu.memory_space<vmem>>, vector<64x128xf32>,
    %get3A_79 = arith.constant 0 : index
    %get3A_80 = arith.constant 0 : index
    %get3A_81 = vector.load %arg14[%get3A_79, %get3A_80] : memref<64x1xf32, #tpu.memory_space<vmem>>, vector<64x1xf32>
    %add3A_82 = arith.addf %get3A_81, %broadcast_in_dim3A_69 : vector<64x1xf32>
    %swap3A_83 = arith.constant 0 : index
    %swap3A_84 = arith.constant 0 : index
    %swap3A_85 = vector.load %arg14[%swap3A_83, %swap3A_84] : memref<64x1xf32, #tpu.memory_space<vmem>>, vector<64x1xf32>
    tpu.vector_store %arg14[%swap3A_83, %swap3A_84], %add3A_82 {strides = array<i32>} : memref<64x1xf32, #tpu.memory_space<vmem>>, vector<64x1xf32>,
    %eq3A_86 = arith.constant 9 : i32
    %eq3A_87 = arith.cmpi eq, %arg0, %eq3A_86 : i32
    %convert_element_type3A_88 = arith.extui %eq3A_87 : i1 to i32
    %cond3A_89 = arith.constant 0 : i32
    %cond3A_90 = arith.cmpi ne, %convert_element_type3A_88, %cond3A_89 : i32
    scf.if %cond3A_90 {
      %get3A_91 = arith.constant 0 : index
      %get3A_92 = arith.constant 0 : index
      %get3A_93 = vector.load %arg13[%get3A_91, %get3A_92] : memref<64x128xf32, #tpu.memory_space<vmem>>, vector<64x128xf32>
      %get3A_94 = arith.constant 0 : index
      %get3A_95 = arith.constant 0 : index
      %get3A_96 = vector.load %arg14[%get3A_94, %get3A_95] : memref<64x1xf32, #tpu.memory_space<vmem>>, vector<64x1xf32>
      %max3A = arith.constant 1.000000e+00 : f32
      %max3A_97 = vector.broadcast %max3A : f32 to vector<64x1xf32>
      %max3A_98 = arith.maximumf %get3A_96, %max3A_97 : vector<64x1xf32>
      %div3A = vector.broadcast %max3A_98 : vector<64x1xf32> to vector<64x128xf32>
      %div3A_99 = arith.divf %get3A_93, %div3A : vector<64x128xf32>
      %get3A_100 = arith.constant 0 : index
      %get3A_101 = arith.constant 0 : index
      %get3A_102 = vector.load %arg8[%get3A_100, %get3A_101] : memref<128x128xf32, #tpu.memory_space<vmem>>, vector<128x128xf32>
      %dot_general3A_103 = arith.constant dense<0.000000e+00> : vector<64x128xf32>
      %dot_general3A_104 = tpu.matmul %div3A_99, %get3A_102, %dot_general3A_103 {dimension_numbers = #tpu.dot_dimension_numbers<[1], [0], [0], [1], [0, 0, 1, 1], [], []>, transpose_lhs_hint = false} : vector<64x128xf32>, vector<128x128xf32>, vector<64x128xf32> -> vector<64x128xf32>
      %get3A_105 = arith.constant 0 : index
      %get3A_106 = arith.constant 0 : index
      %get3A_107 = vector.load %arg9[%get3A_105, %get3A_106] : memref<1x128xf32, #tpu.memory_space<vmem>>, vector<1x128xf32>
      %add3A_108 = vector.broadcast %get3A_107 : vector<1x128xf32> to vector<64x128xf32>
      %add3A_109 = arith.addf %dot_general3A_104, %add3A_108 : vector<64x128xf32>
      %max3A_110 = arith.constant 0.000000e+00 : f32
      %max3A_111 = vector.broadcast %max3A_110 : f32 to vector<64x128xf32>
      %max3A_112 = arith.maximumf %add3A_109, %max3A_111 : vector<64x128xf32>
      %get3A_113 = arith.constant 0 : index
      %get3A_114 = arith.constant 0 : index
      %get3A_115 = vector.load %arg10[%get3A_113, %get3A_114] : memref<128x128xf32, #tpu.memory_space<vmem>>, vector<128x128xf32>
      %dot_general3A_116 = arith.constant dense<0.000000e+00> : vector<64x128xf32>
      %dot_general3A_117 = tpu.matmul %max3A_112, %get3A_115, %dot_general3A_116 {dimension_numbers = #tpu.dot_dimension_numbers<[1], [0], [0], [1], [0, 0, 1, 1], [], []>, transpose_lhs_hint = false} : vector<64x128xf32>, vector<128x128xf32>, vector<64x128xf32> -> vector<64x128xf32>
      %get3A_118 = arith.constant 0 : index
      %get3A_119 = arith.constant 0 : index
      %get3A_120 = vector.load %arg11[%get3A_118, %get3A_119] : memref<1x128xf32, #tpu.memory_space<vmem>>, vector<1x128xf32>
      %add3A_121 = vector.broadcast %get3A_120 : vector<1x128xf32> to vector<64x128xf32>
      %add3A_122 = arith.addf %dot_general3A_117, %add3A_121 : vector<64x128xf32>
      %reduce_max3A = arith.constant dense<0xFF800000> : vector<64xf32>
      %reduce_max3A_123 = vector.multi_reduction <maximumf>, %add3A_122, %reduce_max3A [1] : vector<64x128xf32> to vector<64xf32>
      %broadcast_in_dim3A_124 = vector.shape_cast %reduce_max3A_123 : vector<64xf32> to vector<64x1xf32>
      %sub3A_125 = vector.broadcast %broadcast_in_dim3A_124 : vector<64x1xf32> to vector<64x128xf32>
      %sub3A_126 = arith.subf %add3A_122, %sub3A_125 : vector<64x128xf32>
      %exp3A = math.exp %sub3A_126 : vector<64x128xf32>
      %reduce_sum3A_127 = arith.constant dense<0.000000e+00> : vector<64xf32>
      %reduce_sum3A_128 = vector.multi_reduction <add>, %exp3A, %reduce_sum3A_127 [1] : vector<64x128xf32> to vector<64xf32>
      %broadcast_in_dim3A_129 = vector.shape_cast %reduce_sum3A_128 : vector<64xf32> to vector<64x1xf32>
      %log3A = math.log %broadcast_in_dim3A_129 : vector<64x1xf32>
      %add3A_130 = arith.addf %broadcast_in_dim3A_124, %log3A : vector<64x1xf32>
      %sub3A_131 = vector.broadcast %add3A_130 : vector<64x1xf32> to vector<64x128xf32>
      %sub3A_132 = arith.subf %add3A_122, %sub3A_131 : vector<64x128xf32>
      %swap3A_133 = arith.constant 0 : index
      %swap3A_134 = arith.constant 0 : index
      %swap3A_135 = vector.load %arg12[%swap3A_133, %swap3A_134] : memref<64x128xf32, #tpu.memory_space<vmem>>, vector<64x128xf32>
      tpu.vector_store %arg12[%swap3A_133, %swap3A_134], %sub3A_132 {strides = array<i32>} : memref<64x128xf32, #tpu.memory_space<vmem>>, vector<64x128xf32>,
    } else {
    }
    return
  }
  func.func @transform_0(%arg0: i32) -> (i32, i32, i32) {
    %c0_i32 = arith.constant 0 : i32
    %c0_i32_0 = arith.constant 0 : i32
    %c0_i32_1 = arith.constant 0 : i32
    return %c0_i32, %arg0, %c0_i32_0 : i32, i32, i32
  }
  func.func @transform_1(%arg0: i32) -> (i32, i32) {
    %c0_i32 = arith.constant 0 : i32
    %c0_i32_0 = arith.constant 0 : i32
    return %arg0, %c0_i32 : i32, i32
  }
  func.func @transform_2(%arg0: i32) -> (i32, i32) {
    %c0_i32 = arith.constant 0 : i32
    %c0_i32_0 = arith.constant 0 : i32
    %c0_i32_1 = arith.constant 0 : i32
    return %c0_i32, %c0_i32_0 : i32, i32
  }
  func.func @transform_3(%arg0: i32) -> (i32, i32) {
    %c0_i32 = arith.constant 0 : i32
    %c0_i32_0 = arith.constant 0 : i32
    %c0_i32_1 = arith.constant 0 : i32
    return %c0_i32, %c0_i32_0 : i32, i32
  }
  func.func @transform_4(%arg0: i32) -> (i32, i32) {
    %c0_i32 = arith.constant 0 : i32
    %c0_i32_0 = arith.constant 0 : i32
    %c0_i32_1 = arith.constant 0 : i32
    return %c0_i32, %c0_i32_0 : i32, i32
  }
  func.func @transform_5(%arg0: i32) -> (i32, i32) {
    %c0_i32 = arith.constant 0 : i32
    %c0_i32_0 = arith.constant 0 : i32
    %c0_i32_1 = arith.constant 0 : i32
    return %c0_i32, %c0_i32_0 : i32, i32
  }
  func.func @transform_6(%arg0: i32) -> (i32, i32, i32) {
    %c0_i32 = arith.constant 0 : i32
    %c0_i32_0 = arith.constant 0 : i32
    %c0_i32_1 = arith.constant 0 : i32
    return %arg0, %c0_i32, %c0_i32_0 : i32, i32, i32
  }
  func.func @transform_7(%arg0: i32) -> (i32, i32) {
    %c0_i32 = arith.constant 0 : i32
    %c0_i32_0 = arith.constant 0 : i32
    %c0_i32_1 = arith.constant 0 : i32
    return %c0_i32, %c0_i32_0 : i32, i32
  }
  func.func @transform_8(%arg0: i32) -> (i32, i32) {
    %c0_i32 = arith.constant 0 : i32
    %c0_i32_0 = arith.constant 0 : i32
    %c0_i32_1 = arith.constant 0 : i32
    return %c0_i32, %c0_i32_0 : i32, i32
  }
  func.func @transform_9(%arg0: i32) -> (i32, i32) {
    %c0_i32 = arith.constant 0 : i32
    %c0_i32_0 = arith.constant 0 : i32
    %c0_i32_1 = arith.constant 0 : i32
    return %c0_i32, %c0_i32_0 : i32, i32
  }
  func.func @transform_10(%arg0: i32) -> (i32, i32) {
    %c0_i32 = arith.constant 0 : i32
    %c0_i32_0 = arith.constant 0 : i32
    %c0_i32_1 = arith.constant 0 : i32
    return %c0_i32, %c0_i32_0 : i32, i32
  }
  func.func @transform_11(%arg0: i32) -> (i32, i32) {
    %c0_i32 = arith.constant 0 : i32
    %c0_i32_0 = arith.constant 0 : i32
    %c0_i32_1 = arith.constant 0 : i32
    return %c0_i32, %c0_i32_0 : i32, i32
  }
}

</mosaic_0001>

<sc_bundles>
// kernel: kernel.11.cloned.1.call-start
scs
__scs_entry_jumppad:
0x0: {  	(pc) =	sbr.rel $0x88, $3  }
0x1: {  	(tag) =	ssettag $0x0;
	lr =	simm.s32 $0x1  }
0x2: {  	[smem:$0x3F93] =	sst lr;
	_ =	strace $0xD0000000  }
0x3: {  	_ = 	snop  }
0x4: {  	_ = 	snop  }
0x5: {  	_ = 	snop  }
0x6: {  	_ = 	snop  }
0x7: {  	_ = 	snop  }
__scs_overlays_trampoline_lowered:
0x8: {  	[smem:$0x3FA2] =	sst s0  }
0x9: {  	[smem:$0x3FA3] =	sst s1  }
0xa: {  	[smem:$0x3FA4] =	sst s2  }
0xb: {  	[smem:$0x3FA5] =	sst s3  }
0xc: {  	[smem:$0x3FA6] =	sst s4  }
0xd: {  	[smem:$0x3FA7] =	sst s5  }
0xe: {  	[smem:$0x3FA8] =	sst s6  }
0xf: {  	[smem:$0x3FA9] =	sst s7  }
0x10: {  	[smem:$0x3FAA] =	sst s8  }
0x11: {  	[smem:$0x3FAB] =	sst s9;
	s0 =	simm.s32 @!p0 $0x0  }
0x12: {  	s1 =	sld [smem:$0x3F91];
	s0 =	simm.s32 @p0 $0x1  }
0x13: {  	[smem:$0x3FAC] =	sst s0;
	s0 =	simm.s32 @!p1 $0x0  }
0x14: {  	s2 =	sld [smem:$0x3F90];
	s0 =	simm.s32 @p1 $0x1  }
0x15: {  	[smem:$0x3FAD] =	sst s0;
	s0 =	simm.s32 @!p2 $0x0  }
0x16: {  	s3 =	sld [smem:$0x3FDB];
	s0 =	simm.s32 @p2 $0x1  }
0x17: {  	s4 =	simm.s32 $0x1BF5;
	[smem:$0x3FAF] =	sst s0  }
0x18: {  	s0 =	sld [smem:$0x3F92];
	_ =	swait.ge [sflag:s4], $0x0  }
0x19: {  	s7 =	sld [smem:$0x3F93]  }
0x1a: {  	s8 =	sadd.s32 $0xFFFFE003, lr  }
0x1b: {  	s9 =	sadd.s32 $0xFFFFFEF7, lr;
	s5 =	simm.s32 $0xFFFFFFFF;
	p2 =	slt.u32 s8, $0xFFFFF086  }
0x1c: {  	p1 =	slt.u32 s9, $0xF7A;
	s5 =	simm.s32 @!p2 $0x0  }
0x1d: {  	s5 =	simm.s32 @p1 $0x1;
	p0 =	seq.s32 s7, s2  }
0x1e: {  	s7 =	smul.u32 @!p0 $0xF7A, s2;
	p2 =	seq.s32 @!p0 s5, $0x0  }
0x1f: {  	s9 =	smul.u32 $0xF7A, s1;
	s8 =	simm.s32 @!p0 $0x1BF5;
	p2 =	por !p2, p0  }
0x20: {  	[sflag:s8] =	ssyncset.s32 @!p0 $0xFFFFF086;
	s6 =	sadd.s32 @!p0 s3, s7;
	s7 =	simm.s32 @!p0 $0x108  }
0x21: {  	s3 =	sadd.s32 s3, s9;
	s6 =	sadd.s32 @!p0 $0x88, s6;
	s7 =	simm.s32 @p2 $0x1082  }
0x22: {  	[simem:s7], [sflag:s8] =	dma.local @!p0 [hbm:s6], $0xF7A  }
0x23: {  	s9 =	sor.u32 $0xD0000000, s2;
	s6 =	simm.s32 $0x108;
	_ =	swait.ge @!p0 [sflag:s8], $0x0  }
0x24: {  	s3 =	sadd.s32 $0x88, s3;
	s6 =	simm.s32 @!p1 $0x1082;
	[sflag:s4] =	ssyncset.s32 $0xFFFFF086  }
0x25: {  	[simem:s6], [sflag:s4] =	dma.local [hbm:s3], $0xF7A  }
0x26: {  	[smem:$0x3F93] =	sst s1;
	(tag) =	ssettag s2;
	_ =	strace s9  }
0x27: {  	s1 =	sld [smem:$0x3FA3]  }
0x28: {  	s2 =	sld [smem:$0x3FA4]  }
0x29: {  	s4 =	sld [smem:$0x3FA6]  }
0x2a: {  	p0 =	seq.s32 s5, $0x0;
	s5 =	sld [smem:$0x3FA7]  }
0x2b: {  	s6 =	sld [smem:$0x3FA8]  }
0x2c: {  	s7 =	sld [smem:$0x3FA9]  }
0x2d: {  	s3 =	simm.s32 $0x108;
	s8 =	sld [smem:$0x3FAA]  }
0x2e: {  	s3 =	simm.s32 @!p0 $0x1082;
	s9 =	sld [smem:$0x3FAB]  }
0x2f: {  	lr =	sadd.s32 s0, s3;
	s0 =	sld [smem:$0x3FA2]  }
0x30: {  	s3 =	sld [smem:$0x3FA5]  }
0x31: {  	[smem:$0x3FAE] =	sst s10  }
0x32: {  	s10 =	sld [smem:$0x3FAC];
	_ =	sdelay $0x3  }
0x33: {  	p0 =	seq.s32 s10, $0x1;
	s10 =	sld [smem:$0x3FAE];
	_ =	sdelay $0x3  }
0x34: {  	[smem:$0x3FAE] =	sst s10  }
0x35: {  	s10 =	sld [smem:$0x3FAD];
	_ =	sdelay $0x3  }
0x36: {  	p1 =	seq.s32 s10, $0x1;
	s10 =	sld [smem:$0x3FAE];
	_ =	sdelay $0x3  }
0x37: {  	[smem:$0x3FAE] =	sst s10  }
0x38: {  	s10 =	sld [smem:$0x3FAF]  }
0x39: {  	_ = 	snop;
	(pc) =	sbr.ind lr, $3  }
0x3a: {  	_ = 	snop  }
0x3b: {  	_ = 	snop  }
0x3c: {  	p2 =	seq.s32 s10, $0x1;
	s10 =	sld [smem:$0x3FAE]  }
0x3d: {  	_ =	shalt  }
0x3e: {  	_ =	shalt  }
0x3f: {  	_ =	shalt  }
0x40: {  	_ =	shalt  }
0x41: {  	_ =	shalt  }
0x42: {  	_ =	shalt  }
0x43: {  	_ =	shalt  }
0x44: {  	_ =	shalt  }
0x45: {  	_ =	shalt  }
0x46: {  	_ =	shalt  }
0x47: {  	_ =	shalt  }
0x48: {  	_ =	shalt  }
0x49: {  	_ =	shalt  }
0x4a: {  	_ =	shalt  }
0x4b: {  	_ =	shalt  }
0x4c: {  	_ =	shalt  }
0x4d: {  	_ =	shalt  }
0x4e: {  	_ =	shalt  }
0x4f: {  	_ =	shalt  }
0x50: {  	_ =	shalt  }
0x51: {  	_ =	shalt  }
0x52: {  	_ =	shalt  }
0x53: {  	_ =	shalt  }
0x54: {  	_ =	shalt  }
0x55: {  	_ =	shalt  }
0x56: {  	_ =	shalt  }
0x57: {  	_ =	shalt  }
0x58: {  	_ =	shalt  }
0x59: {  	_ =	shalt  }
0x5a: {  	_ =	shalt  }
0x5b: {  	_ =	shalt  }
0x5c: {  	_ =	shalt  }
0x5d: {  	_ =	shalt  }
0x5e: {  	_ =	shalt  }
0x5f: {  	_ =	shalt  }
0x60: {  	_ =	shalt  }
0x61: {  	_ =	shalt  }
0x62: {  	_ =	shalt  }
0x63: {  	_ =	shalt  }
0x64: {  	_ =	shalt  }
0x65: {  	_ =	shalt  }
0x66: {  	_ =	shalt  }
0x67: {  	_ =	shalt  }
0x68: {  	_ =	shalt  }
0x69: {  	_ =	shalt  }
0x6a: {  	_ =	shalt  }
0x6b: {  	_ =	shalt  }
0x6c: {  	_ =	shalt  }
0x6d: {  	_ =	shalt  }
0x6e: {  	_ =	shalt  }
0x6f: {  	_ =	shalt  }
0x70: {  	_ =	shalt  }
0x71: {  	_ =	shalt  }
0x72: {  	_ =	shalt  }
0x73: {  	_ =	shalt  }
0x74: {  	_ =	shalt  }
0x75: {  	_ =	shalt  }
0x76: {  	_ =	shalt  }
0x77: {  	_ =	shalt  }
0x78: {  	_ =	shalt  }
0x79: {  	_ =	shalt  }
0x7a: {  	_ =	shalt  }
0x7b: {  	_ =	shalt  }
0x7c: {  	_ =	shalt  }
0x7d: {  	_ =	shalt  }
0x7e: {  	_ =	shalt  }
0x7f: {  	_ =	shalt  }
0x80: {  	_ =	shalt  }
0x81: {  	_ =	shalt  }
0x82: {  	_ =	shalt  }
0x83: {  	_ =	shalt  }
0x84: {  	_ =	shalt  }
0x85: {  	_ =	shalt  }
0x86: {  	_ =	shalt  }
0x87: {  	_ =	shalt  }
.Lfunc_end0:
.L_simem_size_0:
called_computation_lowered:
.L_overlay_start_0:
0x88: {  	s2 =	sld [smem:$0x3FD9]  }
0x89: {  	s3 =	sld [smem:$0x3FFE];
	_ =	sdelay $0x1  }
0x8a: {  	s1 =	srdreg.scid  }
0x8b: {  	s0 =	sand.u32 $0x1, s1  }
0x8c: {  	s16 =	sshll.u32 s0, $0xA;
	s2 =	sadd.s32 s3, s2  }
0x8d: {  	s2 =	sadd.s32 s2, s16  }
0x8e: {  	[smem:$0x3FBA] =	sst s2  }
0x8f: {  	_ = 	snop  }
0x90: {  	(tm) =	ssettm $0x1  }
0x91: {  	s17 =	sld [smem:$0x3FFB];
	_ =	sdelay $0x3  }
0x92: {  	_ =	strace s17  }
0x93: {  	s2 =	sld [smem:$0x3FFC];
	_ =	sdelay $0x3  }
0x94: {  	_ =	strace s2  }
0x95: {  	s2 =	sld [smem:$0x3FFD];
	_ =	sdelay $0x3  }
0x96: {  	_ =	strace s2  }
0x97: {  	_ =	strace $0x8FFFFFFF  }
0x98: {  	s18 =	sld [smem:$0x3FDB];
	_ =	sdelay $0x1  }
0x99: {  	s19 =	simm.s32 $_scs_section_size  }
0x9a: {  	s4 =	simm.s32 $_size__tile_overlayer_lowered;
	s5 =	simm.s32 $_tile_overlayer_lowered  }
0x9b: {  	s22 =	simm.s32 $0x1BFF;
	s21 =	sshll.u32 s5, $0x1;
	s2 =	sadd.s32 s19, s18  }
0x9c: {  	s6 =	simm.s32 $0x0;
	s20 =	sshll.u32 s4, $0x1;
	s4 =	sadd.s32 s21, s2  }
0x9d: {  	[timem:s6], [sflag:s22] =	dma.local [hbm:s4], s20  }
0x9e: {  	_ =	swait.ge [sflag:s22], s20  }
0x9f: {  	s3 =	ssub.s32 $0x0, s20;
	[sflag:s22] =	ssyncset.done $0x0  }
0xa0: {  	[sflag:s22] =	ssyncadd.s32 s3;
	_ =	sdelay $0x1  }
0xa1: {  	s23 =	simm.s32 $0x1B8B  }
0xa2: {  	_ =	swait.ge [sflag:s23], $0x1  }
0xa3: {  	[sflag:s23] =	ssyncset.done $0x0  }
0xa4: {  	s25 =	simm.s32 $0x1B8E;
	s24 =	sld [smem:$0x3FFE];
	[sflag:s23] =	ssyncadd.s32 $0xFFFFFFFF  }
0xa5: {  	s26 =	simm.s32 $execute0_lowered;
	[smem:$0x3FD2] =	sst s25  }
0xa6: {  	s4 =	sshll.u32 s26, $0x1;
	_ =	strace $0x80000046;
	[dreg:$0x1] =	wrdreg $0xFFFFFFFF  }
0xa7: {  	s28 =	simm.s32 $_size_execute0_lowered;
	s2 =	sadd.s32 s2, s4;
	[dreg:$0x0] =	wrdreg $0x0  }
0xa8: {  	s4 =	sshll.u32 s28, $0x1;
	[dreg:$0x2] =	wrdreg s2  }
0xa9: {  	[dreg:$0x3] =	wrdreg s4  }
0xaa: {  	[dreg:$0x4] =	wrdreg $0xC0  }
0xab: {  	_ =	task [dreg:s6], $0x5FFFF  }
0xac: {  	[dreg:$0x1] =	wrdreg $0xFFFFFFFF  }
0xad: {  	[dreg:$0x0] =	wrdreg $0x60  }
0xae: {  	[dreg:$0x2] =	wrdreg s24  }
0xaf: {  	[dreg:$0x3] =	wrdreg $0xBC000  }
0xb0: {  	[dreg:$0x4] =	wrdreg $0x9  }
0xb1: {  	_ =	task.clear_ibuf [dreg:s6], $0x5FFFF;
	_ =	strace $0x90000046  }
0xb2: {  	s29 =	simm.s32 $0x9;
	_ =	strace $0x80000048  }
0xb3: {  	_ =	swait.ge [sflag:s29], $0x1  }
0xb4: {  	[sflag:s29] =	ssyncadd.s32 $0xFFFFFFFF  }
0xb5: {  	_ =	strace $0x90000048  }
0xb6: {  	_ =	sfence  }
0xb7: {  	s30 =	sld [smem:$0x0];
	_ =	sdelay $0x2  }
0xb8: {  	s31 =	sshll.u32 s1, $0xD;
	s1 =	sshrl.u32 s1, $0x2  }
0xb9: {  	s3 =	sand.u32 $0x4000, s31;
	s1 =	sadd.s32 s1, s30  }
0xba: {  	s0 =	sor.u32 s3, s0;
	s1 =	sshll.u32 s1, $0x11  }
0xbb: {  	s0 =	sor.u32 s1, s0  }
0xbc: {  	s0 =	sadd.s32 $0x8F2B, s0  }
0xbd: {  	[sflag:s0] =	ssyncadd.remote.s32 $0x1  }
0xbe: {  	_ =	sfence.sel $0xFFFF  }
0xbf: {  	[dreg:$0x0] =	wrdreg $0xFFFFFFFF;
	(pc) =	sbr.abs _section_cstart, $3  }
0xc0: {  	[dreg:$0x1] =	wrdreg $0xFFFFFFFF  }
0xc1: {  	_ =	task.clear_ibuf [dreg:s6], $0x2FFFF;
	_ =	strace $0x9FFFFFFF  }
0xc2: {  	(tm) =	ssettm $0x7FFFFFFF  }
0xc3: {  	_ =	shalt  }
tec
execute0_lowered:
.L_overlay_start_1:
0x0: {  	(tag) =	ssettag $0x1  }
0x1: {  	s7 =	rddreg [dreg:$0x0]  }
0x2: {  	s0 =	srdreg.scid;
	s2 =	rddreg [dreg:$0x1];
	s3 =	simm.s32 $0x0  }
0x3: {  	s17 =	simm.s32 $0x100;
	s18 =	simm.s32 $0x3C00;
	s19 =	simm.s32 $0x0  }
0x4: {  	s6 =	sand.u32 $0x1, s0;
	s0 =	stileid.u32;
	[smem:$0x7FF] =	sst s3  }
0x5: {  	s13 =	sadd.s32 $0xD800, s7;
	s1 =	sshll.u32 s6, $0x4;
	s9 =	smul.u32 $0x13C000, s6  }
0x6: {  	s5 =	sshll.u32 s0, $0x7;
	s11 =	smul.u32 $0x13C00, s0;
	s6 =	ssub.s32 $0x2, s6  }
0x7: {  	s14 =	smul.u32 $0x4F000, s0;
	s15 =	sshll.u32 s0, $0x6;
	s1 =	sor.u32 s0, s1  }
0x8: {  	s5 =	sand.u32 $0x380, s5;
	s28 =	sshrl.u32 s6, $0x1;
	s15 =	sor.u32 $0x1C01, s15  }
0x9: {  	s1 =	sshrl.u32 s1, $0x3;
	s9 =	sadd.s32 s11, s9;
	s11 =	ssub.s32 s6, s28  }
0xa: {  	s30 =	sshrl.u32 s14, $0x2;
	s14 =	simm.s32 $0x2800;
	s4 =	smul.u32 $0x14000, s1  }
0xb: {  	s1 =	rddreg [dreg:$0x2];
	s9 =	sshrl.u32 s9, $0x3;
	s16 =	sadd.s32 s30, s2  }
0xc: {  	_ =	strace $0x80000047;
	s9 =	sadd.s32 s9, s7;
	s16 =	sshrl.u32 s16, $0x3  }
0xd: {  	s8 =	sor.u32 s5, s4;
	s4 =	sadd.s32 $0x17800, s7;
	s5 =	sadd.s32 $0x3EA00, s7  }
0xe: {  	s9 =	sadd.s32 $0x41200, s9;
	s10 =	sshrl.u32 s8, $0x3;
	s29 =	sadd.s32 $0xA000, s8  }
0xf: {  	s12 =	sadd.s32 s10, s7;
	s31 =	sshrl.u32 s29, $0x3;
	s7 =	sadd.s32 s13, s10  }
0x10: {  	s10 =	smax.u32 s11, $0x1;
	s11 =	simm.s32 $0x80;
	s6 =	sadd.s32 $0x3800, s12  }
0x11: {  	s8 =	sadd.s32 s13, s31;
	s12 =	simm.s32 $0x400;
	s13 =	simm.s32 $0x1  }
.LBB2_1:
0x12: {  	[tilespmem:s3], [sflag:$0x1] =	stream.strided.gather [hbm4b:s6+s11], $0x2800, s12, s11, $0x38;
	[tilespmem:$0x1F800] =	vst v63  }
0x13: {  	_ =	swait.ge [sflag:s13], $0x2800  }
0x14: {  	[sflag:s13] =	ssyncset.done $0x0  }
0x15: {  	[sflag:s13] =	ssyncadd.s32 $0xFFFFD800  }
0x16: {  	[tilespmem:s14], [sflag:$0x1] =	stream.strided.gather [hbm4b:s7+s11], $0x1400, s12, s11, $0x38;
	[tilespmem:$0x1F800] =	vst v63  }
0x17: {  	_ =	swait.ge [sflag:s13], $0x1400  }
0x18: {  	[sflag:s13] =	ssyncset.done $0x0  }
0x19: {  	[sflag:s13] =	ssyncadd.s32 $0xFFFFEC00  }
0x1a: {  	[spmem:s16], [sflag:s15] =	dma.local [hbm:s5], $0x2780  }
0x1b: {  	_ =	swait.ge [sflag:s13], $0x2780  }
0x1c: {  	[sflag:s13] =	ssyncset.done $0x0  }
0x1d: {  	[sflag:s13] =	ssyncadd.s32 $0xFFFFD880  }
0x1e: {  	s20 =	simm.s32 $0x0;
	[bflag:$0x0] =	sbarrier.arrive $0xFFFF  }
0x1f: {  	[tilespmem:s18], [sflag:$0x1] =	stream.indirect.gather [hbm4b:s4+s17], $0x80, s20, s17, $0xb8;
	[tilespmem:$0x1F800] =	vst v63  }
0x20: {  	_ =	swait.ge [sflag:s13], $0x8000  }
0x21: {  	[sflag:s13] =	ssyncset.done $0x0  }
0x22: {  	s31 =	simm.s32 $0x2800;
	[sflag:s13] =	ssyncadd.s32 $0xFFFF8000  }
0x23: {  	[spmem:s2] =	stream.indirect.scatter.add.f32 [tilespmem:s18], [sflag:$0x1], $0x80, s31, s17, $0xb8;
	[tilespmem:$0x1F800] =	vst v63  }
0x24: {  	_ =	swait.ge [sflag:s13], $0x8000  }
0x25: {  	s21 =	simm.s32 $0x800;
	s20 =	simm.s32 $0x400;
	[sflag:s13] =	ssyncset.done $0x0  }
.LBB2_2:
0x26: {  	s22 =	sshra.s32 s20, $0x2  }
0x27: {  	[sflag:s13] =	ssyncadd.s32 $0xFFFF8000;
	s20 =	smov.u32 s21;
	s23 =	sadd.s32 $0x400, s21  }
0x28: {  	[tilespmem:s18], [sflag:$0x1] =	stream.indirect.gather [hbm4b:s4+s17], $0x80, s22, s17, $0xb8;
	[tilespmem:$0x1F800] =	vst v63  }
0x29: {  	p0 =	sne.s32 s21, $0x4C00;
	_ =	swait.ge [sflag:s13], $0x8000  }
.Ltmp0:
0x2a: {  	[sflag:s13] =	ssyncset.done $0x0;
	(pc) =	sbr.rel @p0 .LBB2_2-.Ltmp0, $4  }
0x2b: {  	s21 =	sadd.s32 $0x2800, s22;
	[sflag:s13] =	ssyncadd.s32 $0xFFFF8000  }
0x2c: {  	[spmem:s2] =	stream.indirect.scatter.add.f32 [tilespmem:s18], [sflag:$0x1], $0x80, s21, s17, $0xb8;
	[tilespmem:$0x1F800] =	vst v63  }
0x2d: {  	_ =	swait.ge [sflag:s13], $0x8000  }
0x2e: {  	s21 =	smov.u32 s23;
	[sflag:s13] =	ssyncset.done $0x0  }
0x2f: {  	s20 =	sshra.s32 s20, $0x2;
	[sflag:s13] =	ssyncadd.s32 $0xFFFF8000  }
0x30: {  	[tilespmem:s18], [sflag:$0x1] =	stream.indirect.gather [hbm4b:s4+s17], $0x80, s20, s17, $0xb8;
	[tilespmem:$0x1F800] =	vst v63  }
0x31: {  	_ =	swait.ge [sflag:s13], $0x8000  }
0x32: {  	[sflag:s13] =	ssyncset.done $0x0  }
0x33: {  	s20 =	sadd.s32 $0x2800, s20;
	[sflag:s13] =	ssyncadd.s32 $0xFFFF8000  }
0x34: {  	[spmem:s2] =	stream.indirect.scatter.add.f32 [tilespmem:s18], [sflag:$0x1], $0x80, s20, s17, $0xb8;
	[tilespmem:$0x1F800] =	vst v63  }
0x35: {  	_ =	swait.ge [sflag:s13], $0x8000  }
0x36: {  	[sflag:s13] =	ssyncset.done $0x0  }
0x37: {  	[sflag:s13] =	ssyncadd.s32 $0xFFFF8000  }
0x38: {  	[tilespmem:s14], [sflag:$0x1] =	stream.strided.gather [hbm4b:s8+s11], $0x1400, s12, s11, $0x38;
	[tilespmem:$0x1F800] =	vst v63  }
0x39: {  	_ =	swait.ge [sflag:s13], $0x1400  }
0x3a: {  	[sflag:s13] =	ssyncset.done $0x0  }
0x3b: {  	s30 =	simm.s32 $0x1400;
	[sflag:s13] =	ssyncadd.s32 $0xFFFFEC00  }
0x3c: {  	[tilespmem:s18], [sflag:$0x1] =	stream.indirect.gather [hbm4b:s4+s17], $0x80, s30, s17, $0xb8;
	[tilespmem:$0x1F800] =	vst v63  }
0x3d: {  	_ =	swait.ge [sflag:s13], $0x8000  }
0x3e: {  	[sflag:s13] =	ssyncset.done $0x0  }
0x3f: {  	s31 =	simm.s32 $0x2800;
	[sflag:s13] =	ssyncadd.s32 $0xFFFF8000  }
0x40: {  	[spmem:s2] =	stream.indirect.scatter.add.f32 [tilespmem:s18], [sflag:$0x1], $0x80, s31, s17, $0xb8;
	[tilespmem:$0x1F800] =	vst v63  }
0x41: {  	_ =	swait.ge [sflag:s13], $0x8000  }
0x42: {  	s21 =	simm.s32 $0x800;
	s20 =	simm.s32 $0x100;
	[sflag:s13] =	ssyncset.done $0x0  }
.LBB2_4:
0x43: {  	s22 =	sadd.s32 $0x1400, s20  }
0x44: {  	[sflag:s13] =	ssyncadd.s32 $0xFFFF8000;
	s23 =	smov.u32 s21;
	s24 =	sadd.s32 $0x400, s21  }
0x45: {  	[tilespmem:s18], [sflag:$0x1] =	stream.indirect.gather [hbm4b:s4+s17], $0x80, s22, s17, $0xb8;
	[tilespmem:$0x1F800] =	vst v63  }
0x46: {  	p0 =	sne.s32 s21, $0x4C00;
	_ =	swait.ge [sflag:s13], $0x8000  }
.Ltmp1:
0x47: {  	[sflag:s13] =	ssyncset.done $0x0;
	(pc) =	sbr.rel @p0 .LBB2_4-.Ltmp1, $4  }
0x48: {  	s20 =	sadd.s32 $0x2800, s20;
	[sflag:s13] =	ssyncadd.s32 $0xFFFF8000  }
0x49: {  	[spmem:s2] =	stream.indirect.scatter.add.f32 [tilespmem:s18], [sflag:$0x1], $0x80, s20, s17, $0xb8;
	[tilespmem:$0x1F800] =	vst v63  }
0x4a: {  	_ =	swait.ge [sflag:s13], $0x8000  }
0x4b: {  	s21 =	smov.u32 s24;
	s20 =	sshra.s32 s23, $0x2;
	[sflag:s13] =	ssyncset.done $0x0  }
0x4c: {  	s21 =	sadd.s32 $0x1400, s20;
	[sflag:s13] =	ssyncadd.s32 $0xFFFF8000  }
0x4d: {  	[tilespmem:s18], [sflag:$0x1] =	stream.indirect.gather [hbm4b:s4+s17], $0x80, s21, s17, $0xb8;
	[tilespmem:$0x1F800] =	vst v63  }
0x4e: {  	_ =	swait.ge [sflag:s13], $0x8000  }
0x4f: {  	[sflag:s13] =	ssyncset.done $0x0  }
0x50: {  	s31 =	sadd.s32 $0x2800, s20;
	[sflag:s13] =	ssyncadd.s32 $0xFFFF8000  }
0x51: {  	[spmem:s2] =	stream.indirect.scatter.add.f32 [tilespmem:s18], [sflag:$0x1], $0x80, s31, s17, $0xb8;
	[tilespmem:$0x1F800] =	vst v63  }
0x52: {  	_ =	swait.ge [sflag:s13], $0x8000  }
0x53: {  	s19 =	sadd.s32 $0x1, s19;
	[sflag:s13] =	ssyncset.done $0x0  }
0x54: {  	p0 =	sne.s32 s19, s10;
	[sflag:s13] =	ssyncadd.s32 $0xFFFF8000  }
.Ltmp2:
0x55: {  	[bflag:$0x0] =	sbarrier.arrive $0xFFFF;
	(pc) =	sbr.rel @p0 .LBB2_1-.Ltmp2, $4  }
0x56: {  	[hbm:s9], [sflag:s15] =	dma.local [spmem:s16], $0x2780  }
0x57: {  	_ =	swait.ge [sflag:s13], $0x2780  }
0x58: {  	[sflag:s13] =	ssyncset.done $0x0  }
0x59: {  	[sflag:s13] =	ssyncadd.s32 $0xFFFFD880  }
0x5a: {  	_ =	sfence.sel $0x180000  }
0x5b: {  	[bflag:$0x0] =	sbarrier.arrive $0xFFFF  }
0x5c: {  	p0 =	sne.s32 s0, $0x0;
	_ =	strace $0x90000047  }
0x5d: {  	s0 =	sadd.s32 @!p0 $0x100000, s1;
	[bflag:$0x2] =	sbarrier.arrive $0xFFFF  }
0x5e: {  	[sflag:s0] =	ssyncadd.tile.s32 @!p0 $0x1;
	_ =	shalt  }
.Lfunc_end2:
_tile_overlayer_lowered:
.L_overlay_start_2:
0x5f: {  	(tag) =	ssettag $0x2  }
0x60: {  	s0 =	rddreg [dreg:$0x0];
	s2 =	stileid.u32  }
0x61: {  	s1 =	rddreg [dreg:$0x1];
	p0 =	sne.s32 s2, $0x0  }
0x62: {  	s3 =	rddreg [dreg:$0x2];
	[bflag:$0x3] =	sbarrier.arrive $0xFFFF;
	s2 =	simm.s32 @!p0 $0x1C01  }
0x63: {  	[timem:s3], [sflag:s2] =	dma.local @!p0 [hbm:s0], s1  }
0x64: {  	s0 =	simm.s32 @!p0 $0x1  }
0x65: {  	_ =	swait.ge @!p0 [sflag:s0], s1  }
0x66: {  	s1 =	ssub.s32 @!p0 $0x0, s1;
	[sflag:s0] =	ssyncset.done @!p0 $0x0  }
0x67: {  	[sflag:s0] =	ssyncadd.s32 @!p0 s1  }
0x68: {  	[bflag:$0x3] =	sbarrier.arrive $0xFFFF  }
0x69: {  	_ =	shalt  }

// kernel: kernel.14.cloned.1.call-start
scs
__scs_entry_jumppad:
0x0: {  	(pc) =	sbr.rel $0x88, $3  }
0x1: {  	(tag) =	ssettag $0x0;
	lr =	simm.s32 $0x1  }
0x2: {  	[smem:$0x3F93] =	sst lr;
	_ =	strace $0xD0000000  }
0x3: {  	_ = 	snop  }
0x4: {  	_ = 	snop  }
0x5: {  	_ = 	snop  }
0x6: {  	_ = 	snop  }
0x7: {  	_ = 	snop  }
__scs_overlays_trampoline_lowered:
0x8: {  	[smem:$0x3FA2] =	sst s0  }
0x9: {  	[smem:$0x3FA3] =	sst s1  }
0xa: {  	[smem:$0x3FA4] =	sst s2  }
0xb: {  	[smem:$0x3FA5] =	sst s3  }
0xc: {  	[smem:$0x3FA6] =	sst s4  }
0xd: {  	[smem:$0x3FA7] =	sst s5  }
0xe: {  	[smem:$0x3FA8] =	sst s6  }
0xf: {  	[smem:$0x3FA9] =	sst s7  }
0x10: {  	[smem:$0x3FAA] =	sst s8  }
0x11: {  	[smem:$0x3FAB] =	sst s9;
	s0 =	simm.s32 @!p0 $0x0  }
0x12: {  	s1 =	sld [smem:$0x3F91];
	s0 =	simm.s32 @p0 $0x1  }
0x13: {  	[smem:$0x3FAC] =	sst s0;
	s0 =	simm.s32 @!p1 $0x0  }
0x14: {  	s2 =	sld [smem:$0x3F90];
	s0 =	simm.s32 @p1 $0x1  }
0x15: {  	[smem:$0x3FAD] =	sst s0;
	s0 =	simm.s32 @!p2 $0x0  }
0x16: {  	s3 =	sld [smem:$0x3FDB];
	s0 =	simm.s32 @p2 $0x1  }
0x17: {  	s4 =	simm.s32 $0x1BF5;
	[smem:$0x3FAF] =	sst s0  }
0x18: {  	s0 =	sld [smem:$0x3F92];
	_ =	swait.ge [sflag:s4], $0x0  }
0x19: {  	s7 =	sld [smem:$0x3F93]  }
0x1a: {  	s8 =	sadd.s32 $0xFFFFE003, lr  }
0x1b: {  	s9 =	sadd.s32 $0xFFFFFEF7, lr;
	s5 =	simm.s32 $0xFFFFFFFF;
	p2 =	slt.u32 s8, $0xFFFFF086  }
0x1c: {  	p1 =	slt.u32 s9, $0xF7A;
	s5 =	simm.s32 @!p2 $0x0  }
0x1d: {  	s5 =	simm.s32 @p1 $0x1;
	p0 =	seq.s32 s7, s2  }
0x1e: {  	s7 =	smul.u32 @!p0 $0xF7A, s2;
	p2 =	seq.s32 @!p0 s5, $0x0  }
0x1f: {  	s9 =	smul.u32 $0xF7A, s1;
	s8 =	simm.s32 @!p0 $0x1BF5;
	p2 =	por !p2, p0  }
0x20: {  	[sflag:s8] =	ssyncset.s32 @!p0 $0xFFFFF086;
	s6 =	sadd.s32 @!p0 s3, s7;
	s7 =	simm.s32 @!p0 $0x108  }
0x21: {  	s3 =	sadd.s32 s3, s9;
	s6 =	sadd.s32 @!p0 $0x88, s6;
	s7 =	simm.s32 @p2 $0x1082  }
0x22: {  	[simem:s7], [sflag:s8] =	dma.local @!p0 [hbm:s6], $0xF7A  }
0x23: {  	s9 =	sor.u32 $0xD0000000, s2;
	s6 =	simm.s32 $0x108;
	_ =	swait.ge @!p0 [sflag:s8], $0x0  }
0x24: {  	s3 =	sadd.s32 $0x88, s3;
	s6 =	simm.s32 @!p1 $0x1082;
	[sflag:s4] =	ssyncset.s32 $0xFFFFF086  }
0x25: {  	[simem:s6], [sflag:s4] =	dma.local [hbm:s3], $0xF7A  }
0x26: {  	[smem:$0x3F93] =	sst s1;
	(tag) =	ssettag s2;
	_ =	strace s9  }
0x27: {  	s1 =	sld [smem:$0x3FA3]  }
0x28: {  	s2 =	sld [smem:$0x3FA4]  }
0x29: {  	s4 =	sld [smem:$0x3FA6]  }
0x2a: {  	p0 =	seq.s32 s5, $0x0;
	s5 =	sld [smem:$0x3FA7]  }
0x2b: {  	s6 =	sld [smem:$0x3FA8]  }
0x2c: {  	s7 =	sld [smem:$0x3FA9]  }
0x2d: {  	s3 =	simm.s32 $0x108;
	s8 =	sld [smem:$0x3FAA]  }
0x2e: {  	s3 =	simm.s32 @!p0 $0x1082;
	s9 =	sld [smem:$0x3FAB]  }
0x2f: {  	lr =	sadd.s32 s0, s3;
	s0 =	sld [smem:$0x3FA2]  }
0x30: {  	s3 =	sld [smem:$0x3FA5]  }
0x31: {  	[smem:$0x3FAE] =	sst s10  }
0x32: {  	s10 =	sld [smem:$0x3FAC];
	_ =	sdelay $0x3  }
0x33: {  	p0 =	seq.s32 s10, $0x1;
	s10 =	sld [smem:$0x3FAE];
	_ =	sdelay $0x3  }
0x34: {  	[smem:$0x3FAE] =	sst s10  }
0x35: {  	s10 =	sld [smem:$0x3FAD];
	_ =	sdelay $0x3  }
0x36: {  	p1 =	seq.s32 s10, $0x1;
	s10 =	sld [smem:$0x3FAE];
	_ =	sdelay $0x3  }
0x37: {  	[smem:$0x3FAE] =	sst s10  }
0x38: {  	s10 =	sld [smem:$0x3FAF]  }
0x39: {  	_ = 	snop;
	(pc) =	sbr.ind lr, $3  }
0x3a: {  	_ = 	snop  }
0x3b: {  	_ = 	snop  }
0x3c: {  	p2 =	seq.s32 s10, $0x1;
	s10 =	sld [smem:$0x3FAE]  }
0x3d: {  	_ =	shalt  }
0x3e: {  	_ =	shalt  }
0x3f: {  	_ =	shalt  }
0x40: {  	_ =	shalt  }
0x41: {  	_ =	shalt  }
0x42: {  	_ =	shalt  }
0x43: {  	_ =	shalt  }
0x44: {  	_ =	shalt  }
0x45: {  	_ =	shalt  }
0x46: {  	_ =	shalt  }
0x47: {  	_ =	shalt  }
0x48: {  	_ =	shalt  }
0x49: {  	_ =	shalt  }
0x4a: {  	_ =	shalt  }
0x4b: {  	_ =	shalt  }
0x4c: {  	_ =	shalt  }
0x4d: {  	_ =	shalt  }
0x4e: {  	_ =	shalt  }
0x4f: {  	_ =	shalt  }
0x50: {  	_ =	shalt  }
0x51: {  	_ =	shalt  }
0x52: {  	_ =	shalt  }
0x53: {  	_ =	shalt  }
0x54: {  	_ =	shalt  }
0x55: {  	_ =	shalt  }
0x56: {  	_ =	shalt  }
0x57: {  	_ =	shalt  }
0x58: {  	_ =	shalt  }
0x59: {  	_ =	shalt  }
0x5a: {  	_ =	shalt  }
0x5b: {  	_ =	shalt  }
0x5c: {  	_ =	shalt  }
0x5d: {  	_ =	shalt  }
0x5e: {  	_ =	shalt  }
0x5f: {  	_ =	shalt  }
0x60: {  	_ =	shalt  }
0x61: {  	_ =	shalt  }
0x62: {  	_ =	shalt  }
0x63: {  	_ =	shalt  }
0x64: {  	_ =	shalt  }
0x65: {  	_ =	shalt  }
0x66: {  	_ =	shalt  }
0x67: {  	_ =	shalt  }
0x68: {  	_ =	shalt  }
0x69: {  	_ =	shalt  }
0x6a: {  	_ =	shalt  }
0x6b: {  	_ =	shalt  }
0x6c: {  	_ =	shalt  }
0x6d: {  	_ =	shalt  }
0x6e: {  	_ =	shalt  }
0x6f: {  	_ =	shalt  }
0x70: {  	_ =	shalt  }
0x71: {  	_ =	shalt  }
0x72: {  	_ =	shalt  }
0x73: {  	_ =	shalt  }
0x74: {  	_ =	shalt  }
0x75: {  	_ =	shalt  }
0x76: {  	_ =	shalt  }
0x77: {  	_ =	shalt  }
0x78: {  	_ =	shalt  }
0x79: {  	_ =	shalt  }
0x7a: {  	_ =	shalt  }
0x7b: {  	_ =	shalt  }
0x7c: {  	_ =	shalt  }
0x7d: {  	_ =	shalt  }
0x7e: {  	_ =	shalt  }
0x7f: {  	_ =	shalt  }
0x80: {  	_ =	shalt  }
0x81: {  	_ =	shalt  }
0x82: {  	_ =	shalt  }
0x83: {  	_ =	shalt  }
0x84: {  	_ =	shalt  }
0x85: {  	_ =	shalt  }
0x86: {  	_ =	shalt  }
0x87: {  	_ =	shalt  }
.Lfunc_end0:
.L_simem_size_0:
called_computation.1_lowered:
.L_overlay_start_0:
0x88: {  	s2 =	sld [smem:$0x3FD9]  }
0x89: {  	s3 =	sld [smem:$0x3FFE];
	_ =	sdelay $0x1  }
0x8a: {  	s1 =	srdreg.scid  }
0x8b: {  	s0 =	sand.u32 $0x1, s1  }
0x8c: {  	s16 =	sshll.u32 s0, $0xA;
	s2 =	sadd.s32 s3, s2  }
0x8d: {  	s2 =	sadd.s32 s2, s16  }
0x8e: {  	[smem:$0x3FBA] =	sst s2  }
0x8f: {  	_ = 	snop  }
0x90: {  	(tm) =	ssettm $0x1  }
0x91: {  	s17 =	sld [smem:$0x3FFB];
	_ =	sdelay $0x3  }
0x92: {  	_ =	strace s17  }
0x93: {  	s2 =	sld [smem:$0x3FFC];
	_ =	sdelay $0x3  }
0x94: {  	_ =	strace s2  }
0x95: {  	s2 =	sld [smem:$0x3FFD];
	_ =	sdelay $0x3  }
0x96: {  	_ =	strace s2  }
0x97: {  	_ =	strace $0x8FFFFFFF  }
0x98: {  	s18 =	sld [smem:$0x3FDB];
	_ =	sdelay $0x1  }
0x99: {  	s19 =	simm.s32 $_scs_section_size  }
0x9a: {  	s4 =	simm.s32 $_size__tile_overlayer_lowered;
	s5 =	simm.s32 $_tile_overlayer_lowered  }
0x9b: {  	s22 =	simm.s32 $0x1BFF;
	s21 =	sshll.u32 s5, $0x1;
	s2 =	sadd.s32 s19, s18  }
0x9c: {  	s6 =	simm.s32 $0x0;
	s20 =	sshll.u32 s4, $0x1;
	s4 =	sadd.s32 s21, s2  }
0x9d: {  	[timem:s6], [sflag:s22] =	dma.local [hbm:s4], s20  }
0x9e: {  	_ =	swait.ge [sflag:s22], s20  }
0x9f: {  	s3 =	ssub.s32 $0x0, s20;
	[sflag:s22] =	ssyncset.done $0x0  }
0xa0: {  	[sflag:s22] =	ssyncadd.s32 s3;
	_ =	sdelay $0x1  }
0xa1: {  	s23 =	simm.s32 $0x1B8B  }
0xa2: {  	_ =	swait.ge [sflag:s23], $0x1  }
0xa3: {  	[sflag:s23] =	ssyncset.done $0x0  }
0xa4: {  	s25 =	simm.s32 $0x1B8E;
	s24 =	sld [smem:$0x3FFE];
	[sflag:s23] =	ssyncadd.s32 $0xFFFFFFFF  }
0xa5: {  	s26 =	simm.s32 $execute0_lowered;
	[smem:$0x3FD2] =	sst s25  }
0xa6: {  	s4 =	sshll.u32 s26, $0x1;
	_ =	strace $0x80000049;
	[dreg:$0x1] =	wrdreg $0xFFFFFFFF  }
0xa7: {  	s28 =	simm.s32 $_size_execute0_lowered;
	s2 =	sadd.s32 s2, s4;
	[dreg:$0x0] =	wrdreg $0x0  }
0xa8: {  	s4 =	sshll.u32 s28, $0x1;
	[dreg:$0x2] =	wrdreg s2  }
0xa9: {  	[dreg:$0x3] =	wrdreg s4  }
0xaa: {  	[dreg:$0x4] =	wrdreg $0xC0  }
0xab: {  	_ =	task [dreg:s6], $0x5FFFF  }
0xac: {  	[dreg:$0x1] =	wrdreg $0xFFFFFFFF  }
0xad: {  	[dreg:$0x0] =	wrdreg $0x60  }
0xae: {  	[dreg:$0x2] =	wrdreg s24  }
0xaf: {  	[dreg:$0x3] =	wrdreg $0xBC000  }
0xb0: {  	[dreg:$0x4] =	wrdreg $0x9  }
0xb1: {  	_ =	task.clear_ibuf [dreg:s6], $0x5FFFF;
	_ =	strace $0x90000049  }
0xb2: {  	s29 =	simm.s32 $0x9;
	_ =	strace $0x8000004B  }
0xb3: {  	_ =	swait.ge [sflag:s29], $0x1  }
0xb4: {  	[sflag:s29] =	ssyncadd.s32 $0xFFFFFFFF  }
0xb5: {  	_ =	strace $0x9000004B  }
0xb6: {  	_ =	sfence  }
0xb7: {  	s30 =	sld [smem:$0x0];
	_ =	sdelay $0x2  }
0xb8: {  	s31 =	sshll.u32 s1, $0xD;
	s1 =	sshrl.u32 s1, $0x2  }
0xb9: {  	s3 =	sand.u32 $0x4000, s31;
	s1 =	sadd.s32 s1, s30  }
0xba: {  	s0 =	sor.u32 s3, s0;
	s1 =	sshll.u32 s1, $0x11  }
0xbb: {  	s0 =	sor.u32 s1, s0  }
0xbc: {  	s0 =	sadd.s32 $0x8F2B, s0  }
0xbd: {  	[sflag:s0] =	ssyncadd.remote.s32 $0x1  }
0xbe: {  	_ =	sfence.sel $0xFFFF  }
0xbf: {  	[dreg:$0x0] =	wrdreg $0xFFFFFFFF;
	(pc) =	sbr.abs _section_cstart, $3  }
0xc0: {  	[dreg:$0x1] =	wrdreg $0xFFFFFFFF  }
0xc1: {  	_ =	task.clear_ibuf [dreg:s6], $0x2FFFF;
	_ =	strace $0x9FFFFFFF  }
0xc2: {  	(tm) =	ssettm $0x7FFFFFFF  }
0xc3: {  	_ =	shalt  }
tec
execute0_lowered:
.L_overlay_start_1:
0x0: {  	(tag) =	ssettag $0x1  }
0x1: {  	s7 =	rddreg [dreg:$0x0]  }
0x2: {  	s0 =	srdreg.scid;
	s2 =	rddreg [dreg:$0x1];
	s3 =	simm.s32 $0x0  }
0x3: {  	s17 =	simm.s32 $0x100;
	s18 =	simm.s32 $0x3C00;
	s19 =	simm.s32 $0x0  }
0x4: {  	s6 =	sand.u32 $0x1, s0;
	s0 =	stileid.u32;
	[smem:$0x7FF] =	sst s3  }
0x5: {  	s13 =	sadd.s32 $0xD800, s7;
	s1 =	sshll.u32 s6, $0x4;
	s9 =	smul.u32 $0x13C000, s6  }
0x6: {  	s5 =	sshll.u32 s0, $0x7;
	s11 =	smul.u32 $0x13C00, s0;
	s6 =	ssub.s32 $0x2, s6  }
0x7: {  	s14 =	smul.u32 $0x4F000, s0;
	s15 =	sshll.u32 s0, $0x6;
	s1 =	sor.u32 s0, s1  }
0x8: {  	s5 =	sand.u32 $0x380, s5;
	s28 =	sshrl.u32 s6, $0x1;
	s15 =	sor.u32 $0x1C01, s15  }
0x9: {  	s1 =	sshrl.u32 s1, $0x3;
	s9 =	sadd.s32 s11, s9;
	s11 =	ssub.s32 s6, s28  }
0xa: {  	s30 =	sshrl.u32 s14, $0x2;
	s14 =	simm.s32 $0x2800;
	s4 =	smul.u32 $0x14000, s1  }
0xb: {  	s1 =	rddreg [dreg:$0x2];
	s9 =	sshrl.u32 s9, $0x3;
	s16 =	sadd.s32 s30, s2  }
0xc: {  	_ =	strace $0x8000004A;
	s9 =	sadd.s32 s9, s7;
	s16 =	sshrl.u32 s16, $0x3  }
0xd: {  	s8 =	sor.u32 s5, s4;
	s4 =	sadd.s32 $0x17800, s7;
	s5 =	sadd.s32 $0x3EA00, s7  }
0xe: {  	s9 =	sadd.s32 $0x41200, s9;
	s10 =	sshrl.u32 s8, $0x3;
	s29 =	sadd.s32 $0xA000, s8  }
0xf: {  	s12 =	sadd.s32 s10, s7;
	s31 =	sshrl.u32 s29, $0x3;
	s7 =	sadd.s32 s13, s10  }
0x10: {  	s10 =	smax.u32 s11, $0x1;
	s11 =	simm.s32 $0x80;
	s6 =	sadd.s32 $0x3800, s12  }
0x11: {  	s8 =	sadd.s32 s13, s31;
	s12 =	simm.s32 $0x400;
	s13 =	simm.s32 $0x1  }
.LBB2_1:
0x12: {  	[tilespmem:s3], [sflag:$0x1] =	stream.strided.gather [hbm4b:s6+s11], $0x2800, s12, s11, $0x38;
	[tilespmem:$0x1F800] =	vst v63  }
0x13: {  	_ =	swait.ge [sflag:s13], $0x2800  }
0x14: {  	[sflag:s13] =	ssyncset.done $0x0  }
0x15: {  	[sflag:s13] =	ssyncadd.s32 $0xFFFFD800  }
0x16: {  	[tilespmem:s14], [sflag:$0x1] =	stream.strided.gather [hbm4b:s7+s11], $0x1400, s12, s11, $0x38;
	[tilespmem:$0x1F800] =	vst v63  }
0x17: {  	_ =	swait.ge [sflag:s13], $0x1400  }
0x18: {  	[sflag:s13] =	ssyncset.done $0x0  }
0x19: {  	[sflag:s13] =	ssyncadd.s32 $0xFFFFEC00  }
0x1a: {  	[spmem:s16], [sflag:s15] =	dma.local [hbm:s5], $0x2780  }
0x1b: {  	_ =	swait.ge [sflag:s13], $0x2780  }
0x1c: {  	[sflag:s13] =	ssyncset.done $0x0  }
0x1d: {  	[sflag:s13] =	ssyncadd.s32 $0xFFFFD880  }
0x1e: {  	s20 =	simm.s32 $0x0;
	[bflag:$0x0] =	sbarrier.arrive $0xFFFF  }
0x1f: {  	[tilespmem:s18], [sflag:$0x1] =	stream.indirect.gather [hbm4b:s4+s17], $0x80, s20, s17, $0xb8;
	[tilespmem:$0x1F800] =	vst v63  }
0x20: {  	_ =	swait.ge [sflag:s13], $0x8000  }
0x21: {  	[sflag:s13] =	ssyncset.done $0x0  }
0x22: {  	s31 =	simm.s32 $0x2800;
	[sflag:s13] =	ssyncadd.s32 $0xFFFF8000  }
0x23: {  	[spmem:s2] =	stream.indirect.scatter.add.f32 [tilespmem:s18], [sflag:$0x1], $0x80, s31, s17, $0xb8;
	[tilespmem:$0x1F800] =	vst v63  }
0x24: {  	_ =	swait.ge [sflag:s13], $0x8000  }
0x25: {  	s21 =	simm.s32 $0x800;
	s20 =	simm.s32 $0x400;
	[sflag:s13] =	ssyncset.done $0x0  }
.LBB2_2:
0x26: {  	s22 =	sshra.s32 s20, $0x2  }
0x27: {  	[sflag:s13] =	ssyncadd.s32 $0xFFFF8000;
	s20 =	smov.u32 s21;
	s23 =	sadd.s32 $0x400, s21  }
0x28: {  	[tilespmem:s18], [sflag:$0x1] =	stream.indirect.gather [hbm4b:s4+s17], $0x80, s22, s17, $0xb8;
	[tilespmem:$0x1F800] =	vst v63  }
0x29: {  	p0 =	sne.s32 s21, $0x4C00;
	_ =	swait.ge [sflag:s13], $0x8000  }
.Ltmp0:
0x2a: {  	[sflag:s13] =	ssyncset.done $0x0;
	(pc) =	sbr.rel @p0 .LBB2_2-.Ltmp0, $4  }
0x2b: {  	s21 =	sadd.s32 $0x2800, s22;
	[sflag:s13] =	ssyncadd.s32 $0xFFFF8000  }
0x2c: {  	[spmem:s2] =	stream.indirect.scatter.add.f32 [tilespmem:s18], [sflag:$0x1], $0x80, s21, s17, $0xb8;
	[tilespmem:$0x1F800] =	vst v63  }
0x2d: {  	_ =	swait.ge [sflag:s13], $0x8000  }
0x2e: {  	s21 =	smov.u32 s23;
	[sflag:s13] =	ssyncset.done $0x0  }
0x2f: {  	s20 =	sshra.s32 s20, $0x2;
	[sflag:s13] =	ssyncadd.s32 $0xFFFF8000  }
0x30: {  	[tilespmem:s18], [sflag:$0x1] =	stream.indirect.gather [hbm4b:s4+s17], $0x80, s20, s17, $0xb8;
	[tilespmem:$0x1F800] =	vst v63  }
0x31: {  	_ =	swait.ge [sflag:s13], $0x8000  }
0x32: {  	[sflag:s13] =	ssyncset.done $0x0  }
0x33: {  	s20 =	sadd.s32 $0x2800, s20;
	[sflag:s13] =	ssyncadd.s32 $0xFFFF8000  }
0x34: {  	[spmem:s2] =	stream.indirect.scatter.add.f32 [tilespmem:s18], [sflag:$0x1], $0x80, s20, s17, $0xb8;
	[tilespmem:$0x1F800] =	vst v63  }
0x35: {  	_ =	swait.ge [sflag:s13], $0x8000  }
0x36: {  	[sflag:s13] =	ssyncset.done $0x0  }
0x37: {  	[sflag:s13] =	ssyncadd.s32 $0xFFFF8000  }
0x38: {  	[tilespmem:s14], [sflag:$0x1] =	stream.strided.gather [hbm4b:s8+s11], $0x1400, s12, s11, $0x38;
	[tilespmem:$0x1F800] =	vst v63  }
0x39: {  	_ =	swait.ge [sflag:s13], $0x1400  }
0x3a: {  	[sflag:s13] =	ssyncset.done $0x0  }
0x3b: {  	s30 =	simm.s32 $0x1400;
	[sflag:s13] =	ssyncadd.s32 $0xFFFFEC00  }
0x3c: {  	[tilespmem:s18], [sflag:$0x1] =	stream.indirect.gather [hbm4b:s4+s17], $0x80, s30, s17, $0xb8;
	[tilespmem:$0x1F800] =	vst v63  }
0x3d: {  	_ =	swait.ge [sflag:s13], $0x8000  }
0x3e: {  	[sflag:s13] =	ssyncset.done $0x0  }
0x3f: {  	s31 =	simm.s32 $0x2800;
	[sflag:s13] =	ssyncadd.s32 $0xFFFF8000  }
0x40: {  	[spmem:s2] =	stream.indirect.scatter.add.f32 [tilespmem:s18], [sflag:$0x1], $0x80, s31, s17, $0xb8;
	[tilespmem:$0x1F800] =	vst v63  }
0x41: {  	_ =	swait.ge [sflag:s13], $0x8000  }
0x42: {  	s21 =	simm.s32 $0x800;
	s20 =	simm.s32 $0x100;
	[sflag:s13] =	ssyncset.done $0x0  }
.LBB2_4:
0x43: {  	s22 =	sadd.s32 $0x1400, s20  }
0x44: {  	[sflag:s13] =	ssyncadd.s32 $0xFFFF8000;
	s23 =	smov.u32 s21;
	s24 =	sadd.s32 $0x400, s21  }
0x45: {  	[tilespmem:s18], [sflag:$0x1] =	stream.indirect.gather [hbm4b:s4+s17], $0x80, s22, s17, $0xb8;
	[tilespmem:$0x1F800] =	vst v63  }
0x46: {  	p0 =	sne.s32 s21, $0x4C00;
	_ =	swait.ge [sflag:s13], $0x8000  }
.Ltmp1:
0x47: {  	[sflag:s13] =	ssyncset.done $0x0;
	(pc) =	sbr.rel @p0 .LBB2_4-.Ltmp1, $4  }
0x48: {  	s20 =	sadd.s32 $0x2800, s20;
	[sflag:s13] =	ssyncadd.s32 $0xFFFF8000  }
0x49: {  	[spmem:s2] =	stream.indirect.scatter.add.f32 [tilespmem:s18], [sflag:$0x1], $0x80, s20, s17, $0xb8;
	[tilespmem:$0x1F800] =	vst v63  }
0x4a: {  	_ =	swait.ge [sflag:s13], $0x8000  }
0x4b: {  	s21 =	smov.u32 s24;
	s20 =	sshra.s32 s23, $0x2;
	[sflag:s13] =	ssyncset.done $0x0  }
0x4c: {  	s21 =	sadd.s32 $0x1400, s20;
	[sflag:s13] =	ssyncadd.s32 $0xFFFF8000  }
0x4d: {  	[tilespmem:s18], [sflag:$0x1] =	stream.indirect.gather [hbm4b:s4+s17], $0x80, s21, s17, $0xb8;
	[tilespmem:$0x1F800] =	vst v63  }
0x4e: {  	_ =	swait.ge [sflag:s13], $0x8000  }
0x4f: {  	[sflag:s13] =	ssyncset.done $0x0  }
0x50: {  	s31 =	sadd.s32 $0x2800, s20;
	[sflag:s13] =	ssyncadd.s32 $0xFFFF8000  }
0x51: {  	[spmem:s2] =	stream.indirect.scatter.add.f32 [tilespmem:s18], [sflag:$0x1], $0x80, s31, s17, $0xb8;
	[tilespmem:$0x1F800] =	vst v63  }
0x52: {  	_ =	swait.ge [sflag:s13], $0x8000  }
0x53: {  	s19 =	sadd.s32 $0x1, s19;
	[sflag:s13] =	ssyncset.done $0x0  }
0x54: {  	p0 =	sne.s32 s19, s10;
	[sflag:s13] =	ssyncadd.s32 $0xFFFF8000  }
.Ltmp2:
0x55: {  	[bflag:$0x0] =	sbarrier.arrive $0xFFFF;
	(pc) =	sbr.rel @p0 .LBB2_1-.Ltmp2, $4  }
0x56: {  	[hbm:s9], [sflag:s15] =	dma.local [spmem:s16], $0x2780  }
0x57: {  	_ =	swait.ge [sflag:s13], $0x2780  }
0x58: {  	[sflag:s13] =	ssyncset.done $0x0  }
0x59: {  	[sflag:s13] =	ssyncadd.s32 $0xFFFFD880  }
0x5a: {  	_ =	sfence.sel $0x180000  }
0x5b: {  	[bflag:$0x0] =	sbarrier.arrive $0xFFFF  }
0x5c: {  	p0 =	sne.s32 s0, $0x0;
	_ =	strace $0x9000004A  }
0x5d: {  	s0 =	sadd.s32 @!p0 $0x100000, s1;
	[bflag:$0x2] =	sbarrier.arrive $0xFFFF  }
0x5e: {  	[sflag:s0] =	ssyncadd.tile.s32 @!p0 $0x1;
	_ =	shalt  }
.Lfunc_end2:
_tile_overlayer_lowered:
.L_overlay_start_2:
0x5f: {  	(tag) =	ssettag $0x2  }
0x60: {  	s0 =	rddreg [dreg:$0x0];
	s2 =	stileid.u32  }
0x61: {  	s1 =	rddreg [dreg:$0x1];
	p0 =	sne.s32 s2, $0x0  }
0x62: {  	s3 =	rddreg [dreg:$0x2];
	[bflag:$0x3] =	sbarrier.arrive $0xFFFF;
	s2 =	simm.s32 @!p0 $0x1C01  }
0x63: {  	[timem:s3], [sflag:s2] =	dma.local @!p0 [hbm:s0], s1  }
0x64: {  	s0 =	simm.s32 @!p0 $0x1  }
0x65: {  	_ =	swait.ge @!p0 [sflag:s0], s1  }
0x66: {  	s1 =	ssub.s32 @!p0 $0x0, s1;
	[sflag:s0] =	ssyncset.done @!p0 $0x0  }
0x67: {  	[sflag:s0] =	ssyncadd.s32 @!p0 s1  }
0x68: {  	[bflag:$0x3] =	sbarrier.arrive $0xFFFF  }
0x69: {  	_ =	shalt  }

// kernel: kernel.17.cloned.1.call-start
scs
__scs_entry_jumppad:
0x0: {  	(pc) =	sbr.rel $0x88, $3  }
0x1: {  	(tag) =	ssettag $0x0;
	lr =	simm.s32 $0x1  }
0x2: {  	[smem:$0x3F93] =	sst lr;
	_ =	strace $0xD0000000  }
0x3: {  	_ = 	snop  }
0x4: {  	_ = 	snop  }
0x5: {  	_ = 	snop  }
0x6: {  	_ = 	snop  }
0x7: {  	_ = 	snop  }
__scs_overlays_trampoline_lowered:
0x8: {  	[smem:$0x3FA2] =	sst s0  }
0x9: {  	[smem:$0x3FA3] =	sst s1  }
0xa: {  	[smem:$0x3FA4] =	sst s2  }
0xb: {  	[smem:$0x3FA5] =	sst s3  }
0xc: {  	[smem:$0x3FA6] =	sst s4  }
0xd: {  	[smem:$0x3FA7] =	sst s5  }
0xe: {  	[smem:$0x3FA8] =	sst s6  }
0xf: {  	[smem:$0x3FA9] =	sst s7  }
0x10: {  	[smem:$0x3FAA] =	sst s8  }
0x11: {  	[smem:$0x3FAB] =	sst s9;
	s0 =	simm.s32 @!p0 $0x0  }
0x12: {  	s1 =	sld [smem:$0x3F91];
	s0 =	simm.s32 @p0 $0x1  }
0x13: {  	[smem:$0x3FAC] =	sst s0;
	s0 =	simm.s32 @!p1 $0x0  }
0x14: {  	s2 =	sld [smem:$0x3F90];
	s0 =	simm.s32 @p1 $0x1  }
0x15: {  	[smem:$0x3FAD] =	sst s0;
	s0 =	simm.s32 @!p2 $0x0  }
0x16: {  	s3 =	sld [smem:$0x3FDB];
	s0 =	simm.s32 @p2 $0x1  }
0x17: {  	s4 =	simm.s32 $0x1BF5;
	[smem:$0x3FAF] =	sst s0  }
0x18: {  	s0 =	sld [smem:$0x3F92];
	_ =	swait.ge [sflag:s4], $0x0  }
0x19: {  	s7 =	sld [smem:$0x3F93]  }
0x1a: {  	s8 =	sadd.s32 $0xFFFFE003, lr  }
0x1b: {  	s9 =	sadd.s32 $0xFFFFFEF7, lr;
	s5 =	simm.s32 $0xFFFFFFFF;
	p2 =	slt.u32 s8, $0xFFFFF086  }
0x1c: {  	p1 =	slt.u32 s9, $0xF7A;
	s5 =	simm.s32 @!p2 $0x0  }
0x1d: {  	s5 =	simm.s32 @p1 $0x1;
	p0 =	seq.s32 s7, s2  }
0x1e: {  	s7 =	smul.u32 @!p0 $0xF7A, s2;
	p2 =	seq.s32 @!p0 s5, $0x0  }
0x1f: {  	s9 =	smul.u32 $0xF7A, s1;
	s8 =	simm.s32 @!p0 $0x1BF5;
	p2 =	por !p2, p0  }
0x20: {  	[sflag:s8] =	ssyncset.s32 @!p0 $0xFFFFF086;
	s6 =	sadd.s32 @!p0 s3, s7;
	s7 =	simm.s32 @!p0 $0x108  }
0x21: {  	s3 =	sadd.s32 s3, s9;
	s6 =	sadd.s32 @!p0 $0x88, s6;
	s7 =	simm.s32 @p2 $0x1082  }
0x22: {  	[simem:s7], [sflag:s8] =	dma.local @!p0 [hbm:s6], $0xF7A  }
0x23: {  	s9 =	sor.u32 $0xD0000000, s2;
	s6 =	simm.s32 $0x108;
	_ =	swait.ge @!p0 [sflag:s8], $0x0  }
0x24: {  	s3 =	sadd.s32 $0x88, s3;
	s6 =	simm.s32 @!p1 $0x1082;
	[sflag:s4] =	ssyncset.s32 $0xFFFFF086  }
0x25: {  	[simem:s6], [sflag:s4] =	dma.local [hbm:s3], $0xF7A  }
0x26: {  	[smem:$0x3F93] =	sst s1;
	(tag) =	ssettag s2;
	_ =	strace s9  }
0x27: {  	s1 =	sld [smem:$0x3FA3]  }
0x28: {  	s2 =	sld [smem:$0x3FA4]  }
0x29: {  	s4 =	sld [smem:$0x3FA6]  }
0x2a: {  	p0 =	seq.s32 s5, $0x0;
	s5 =	sld [smem:$0x3FA7]  }
0x2b: {  	s6 =	sld [smem:$0x3FA8]  }
0x2c: {  	s7 =	sld [smem:$0x3FA9]  }
0x2d: {  	s3 =	simm.s32 $0x108;
	s8 =	sld [smem:$0x3FAA]  }
0x2e: {  	s3 =	simm.s32 @!p0 $0x1082;
	s9 =	sld [smem:$0x3FAB]  }
0x2f: {  	lr =	sadd.s32 s0, s3;
	s0 =	sld [smem:$0x3FA2]  }
0x30: {  	s3 =	sld [smem:$0x3FA5]  }
0x31: {  	[smem:$0x3FAE] =	sst s10  }
0x32: {  	s10 =	sld [smem:$0x3FAC];
	_ =	sdelay $0x3  }
0x33: {  	p0 =	seq.s32 s10, $0x1;
	s10 =	sld [smem:$0x3FAE];
	_ =	sdelay $0x3  }
0x34: {  	[smem:$0x3FAE] =	sst s10  }
0x35: {  	s10 =	sld [smem:$0x3FAD];
	_ =	sdelay $0x3  }
0x36: {  	p1 =	seq.s32 s10, $0x1;
	s10 =	sld [smem:$0x3FAE];
	_ =	sdelay $0x3  }
0x37: {  	[smem:$0x3FAE] =	sst s10  }
0x38: {  	s10 =	sld [smem:$0x3FAF]  }
0x39: {  	_ = 	snop;
	(pc) =	sbr.ind lr, $3  }
0x3a: {  	_ = 	snop  }
0x3b: {  	_ = 	snop  }
0x3c: {  	p2 =	seq.s32 s10, $0x1;
	s10 =	sld [smem:$0x3FAE]  }
0x3d: {  	_ =	shalt  }
0x3e: {  	_ =	shalt  }
0x3f: {  	_ =	shalt  }
0x40: {  	_ =	shalt  }
0x41: {  	_ =	shalt  }
0x42: {  	_ =	shalt  }
0x43: {  	_ =	shalt  }
0x44: {  	_ =	shalt  }
0x45: {  	_ =	shalt  }
0x46: {  	_ =	shalt  }
0x47: {  	_ =	shalt  }
0x48: {  	_ =	shalt  }
0x49: {  	_ =	shalt  }
0x4a: {  	_ =	shalt  }
0x4b: {  	_ =	shalt  }
0x4c: {  	_ =	shalt  }
0x4d: {  	_ =	shalt  }
0x4e: {  	_ =	shalt  }
0x4f: {  	_ =	shalt  }
0x50: {  	_ =	shalt  }
0x51: {  	_ =	shalt  }
0x52: {  	_ =	shalt  }
0x53: {  	_ =	shalt  }
0x54: {  	_ =	shalt  }
0x55: {  	_ =	shalt  }
0x56: {  	_ =	shalt  }
0x57: {  	_ =	shalt  }
0x58: {  	_ =	shalt  }
0x59: {  	_ =	shalt  }
0x5a: {  	_ =	shalt  }
0x5b: {  	_ =	shalt  }
0x5c: {  	_ =	shalt  }
0x5d: {  	_ =	shalt  }
0x5e: {  	_ =	shalt  }
0x5f: {  	_ =	shalt  }
0x60: {  	_ =	shalt  }
0x61: {  	_ =	shalt  }
0x62: {  	_ =	shalt  }
0x63: {  	_ =	shalt  }
0x64: {  	_ =	shalt  }
0x65: {  	_ =	shalt  }
0x66: {  	_ =	shalt  }
0x67: {  	_ =	shalt  }
0x68: {  	_ =	shalt  }
0x69: {  	_ =	shalt  }
0x6a: {  	_ =	shalt  }
0x6b: {  	_ =	shalt  }
0x6c: {  	_ =	shalt  }
0x6d: {  	_ =	shalt  }
0x6e: {  	_ =	shalt  }
0x6f: {  	_ =	shalt  }
0x70: {  	_ =	shalt  }
0x71: {  	_ =	shalt  }
0x72: {  	_ =	shalt  }
0x73: {  	_ =	shalt  }
0x74: {  	_ =	shalt  }
0x75: {  	_ =	shalt  }
0x76: {  	_ =	shalt  }
0x77: {  	_ =	shalt  }
0x78: {  	_ =	shalt  }
0x79: {  	_ =	shalt  }
0x7a: {  	_ =	shalt  }
0x7b: {  	_ =	shalt  }
0x7c: {  	_ =	shalt  }
0x7d: {  	_ =	shalt  }
0x7e: {  	_ =	shalt  }
0x7f: {  	_ =	shalt  }
0x80: {  	_ =	shalt  }
0x81: {  	_ =	shalt  }
0x82: {  	_ =	shalt  }
0x83: {  	_ =	shalt  }
0x84: {  	_ =	shalt  }
0x85: {  	_ =	shalt  }
0x86: {  	_ =	shalt  }
0x87: {  	_ =	shalt  }
.Lfunc_end0:
.L_simem_size_0:
called_computation.2_lowered:
.L_overlay_start_0:
0x88: {  	s2 =	sld [smem:$0x3FD9]  }
0x89: {  	s3 =	sld [smem:$0x3FFE];
	_ =	sdelay $0x1  }
0x8a: {  	s1 =	srdreg.scid  }
0x8b: {  	s0 =	sand.u32 $0x1, s1  }
0x8c: {  	s16 =	sshll.u32 s0, $0xA;
	s2 =	sadd.s32 s3, s2  }
0x8d: {  	s2 =	sadd.s32 s2, s16  }
0x8e: {  	[smem:$0x3FBA] =	sst s2  }
0x8f: {  	_ = 	snop  }
0x90: {  	(tm) =	ssettm $0x1  }
0x91: {  	s17 =	sld [smem:$0x3FFB];
	_ =	sdelay $0x3  }
0x92: {  	_ =	strace s17  }
0x93: {  	s2 =	sld [smem:$0x3FFC];
	_ =	sdelay $0x3  }
0x94: {  	_ =	strace s2  }
0x95: {  	s2 =	sld [smem:$0x3FFD];
	_ =	sdelay $0x3  }
0x96: {  	_ =	strace s2  }
0x97: {  	_ =	strace $0x8FFFFFFF  }
0x98: {  	s18 =	sld [smem:$0x3FDB];
	_ =	sdelay $0x1  }
0x99: {  	s19 =	simm.s32 $_scs_section_size  }
0x9a: {  	s4 =	simm.s32 $_size__tile_overlayer_lowered;
	s5 =	simm.s32 $_tile_overlayer_lowered  }
0x9b: {  	s22 =	simm.s32 $0x1BFF;
	s21 =	sshll.u32 s5, $0x1;
	s2 =	sadd.s32 s19, s18  }
0x9c: {  	s6 =	simm.s32 $0x0;
	s20 =	sshll.u32 s4, $0x1;
	s4 =	sadd.s32 s21, s2  }
0x9d: {  	[timem:s6], [sflag:s22] =	dma.local [hbm:s4], s20  }
0x9e: {  	_ =	swait.ge [sflag:s22], s20  }
0x9f: {  	s3 =	ssub.s32 $0x0, s20;
	[sflag:s22] =	ssyncset.done $0x0  }
0xa0: {  	[sflag:s22] =	ssyncadd.s32 s3;
	_ =	sdelay $0x1  }
0xa1: {  	s23 =	simm.s32 $0x1B8B  }
0xa2: {  	_ =	swait.ge [sflag:s23], $0x1  }
0xa3: {  	[sflag:s23] =	ssyncset.done $0x0  }
0xa4: {  	s25 =	simm.s32 $0x1B8E;
	s24 =	sld [smem:$0x3FFE];
	[sflag:s23] =	ssyncadd.s32 $0xFFFFFFFF  }
0xa5: {  	s26 =	simm.s32 $execute0_lowered;
	[smem:$0x3FD2] =	sst s25  }
0xa6: {  	s4 =	sshll.u32 s26, $0x1;
	_ =	strace $0x8000004C;
	[dreg:$0x1] =	wrdreg $0xFFFFFFFF  }
0xa7: {  	s28 =	simm.s32 $_size_execute0_lowered;
	s2 =	sadd.s32 s2, s4;
	[dreg:$0x0] =	wrdreg $0x0  }
0xa8: {  	s4 =	sshll.u32 s28, $0x1;
	[dreg:$0x2] =	wrdreg s2  }
0xa9: {  	[dreg:$0x3] =	wrdreg s4  }
0xaa: {  	[dreg:$0x4] =	wrdreg $0xC0  }
0xab: {  	_ =	task [dreg:s6], $0x5FFFF  }
0xac: {  	[dreg:$0x1] =	wrdreg $0xFFFFFFFF  }
0xad: {  	[dreg:$0x0] =	wrdreg $0x60  }
0xae: {  	[dreg:$0x2] =	wrdreg s24  }
0xaf: {  	[dreg:$0x3] =	wrdreg $0xBC000  }
0xb0: {  	[dreg:$0x4] =	wrdreg $0x9  }
0xb1: {  	_ =	task.clear_ibuf [dreg:s6], $0x5FFFF;
	_ =	strace $0x9000004C  }
0xb2: {  	s29 =	simm.s32 $0x9;
	_ =	strace $0x8000004E  }
0xb3: {  	_ =	swait.ge [sflag:s29], $0x1  }
0xb4: {  	[sflag:s29] =	ssyncadd.s32 $0xFFFFFFFF  }
0xb5: {  	_ =	strace $0x9000004E  }
0xb6: {  	_ =	sfence  }
0xb7: {  	s30 =	sld [smem:$0x0];
	_ =	sdelay $0x2  }
0xb8: {  	s31 =	sshll.u32 s1, $0xD;
	s1 =	sshrl.u32 s1, $0x2  }
0xb9: {  	s3 =	sand.u32 $0x4000, s31;
	s1 =	sadd.s32 s1, s30  }
0xba: {  	s0 =	sor.u32 s3, s0;
	s1 =	sshll.u32 s1, $0x11  }
0xbb: {  	s0 =	sor.u32 s1, s0  }
0xbc: {  	s0 =	sadd.s32 $0x8F2B, s0  }
0xbd: {  	[sflag:s0] =	ssyncadd.remote.s32 $0x1  }
0xbe: {  	_ =	sfence.sel $0xFFFF  }
0xbf: {  	[dreg:$0x0] =	wrdreg $0xFFFFFFFF;
	(pc) =	sbr.abs _section_cstart, $3  }
0xc0: {  	[dreg:$0x1] =	wrdreg $0xFFFFFFFF  }
0xc1: {  	_ =	task.clear_ibuf [dreg:s6], $0x2FFFF;
	_ =	strace $0x9FFFFFFF  }
0xc2: {  	(tm) =	ssettm $0x7FFFFFFF  }
0xc3: {  	_ =	shalt  }
tec
execute0_lowered:
.L_overlay_start_1:
0x0: {  	(tag) =	ssettag $0x1  }
0x1: {  	s7 =	rddreg [dreg:$0x0]  }
0x2: {  	s0 =	srdreg.scid;
	s2 =	rddreg [dreg:$0x1];
	s3 =	simm.s32 $0x0  }
0x3: {  	s17 =	simm.s32 $0x100;
	s18 =	simm.s32 $0x3C00;
	s19 =	simm.s32 $0x0  }
0x4: {  	s6 =	sand.u32 $0x1, s0;
	s0 =	stileid.u32;
	[smem:$0x7FF] =	sst s3  }
0x5: {  	s13 =	sadd.s32 $0xD800, s7;
	s1 =	sshll.u32 s6, $0x4;
	s9 =	smul.u32 $0x13C000, s6  }
0x6: {  	s5 =	sshll.u32 s0, $0x7;
	s11 =	smul.u32 $0x13C00, s0;
	s6 =	ssub.s32 $0x2, s6  }
0x7: {  	s14 =	smul.u32 $0x4F000, s0;
	s15 =	sshll.u32 s0, $0x6;
	s1 =	sor.u32 s0, s1  }
0x8: {  	s5 =	sand.u32 $0x380, s5;
	s28 =	sshrl.u32 s6, $0x1;
	s15 =	sor.u32 $0x1C01, s15  }
0x9: {  	s1 =	sshrl.u32 s1, $0x3;
	s9 =	sadd.s32 s11, s9;
	s11 =	ssub.s32 s6, s28  }
0xa: {  	s30 =	sshrl.u32 s14, $0x2;
	s14 =	simm.s32 $0x2800;
	s4 =	smul.u32 $0x14000, s1  }
0xb: {  	s1 =	rddreg [dreg:$0x2];
	s9 =	sshrl.u32 s9, $0x3;
	s16 =	sadd.s32 s30, s2  }
0xc: {  	_ =	strace $0x8000004D;
	s9 =	sadd.s32 s9, s7;
	s16 =	sshrl.u32 s16, $0x3  }
0xd: {  	s8 =	sor.u32 s5, s4;
	s4 =	sadd.s32 $0x17800, s7;
	s5 =	sadd.s32 $0x3EA00, s7  }
0xe: {  	s9 =	sadd.s32 $0x41200, s9;
	s10 =	sshrl.u32 s8, $0x3;
	s29 =	sadd.s32 $0xA000, s8  }
0xf: {  	s12 =	sadd.s32 s10, s7;
	s31 =	sshrl.u32 s29, $0x3;
	s7 =	sadd.s32 s13, s10  }
0x10: {  	s10 =	smax.u32 s11, $0x1;
	s11 =	simm.s32 $0x80;
	s6 =	sadd.s32 $0x3800, s12  }
0x11: {  	s8 =	sadd.s32 s13, s31;
	s12 =	simm.s32 $0x400;
	s13 =	simm.s32 $0x1  }
.LBB2_1:
0x12: {  	[tilespmem:s3], [sflag:$0x1] =	stream.strided.gather [hbm4b:s6+s11], $0x2800, s12, s11, $0x38;
	[tilespmem:$0x1F800] =	vst v63  }
0x13: {  	_ =	swait.ge [sflag:s13], $0x2800  }
0x14: {  	[sflag:s13] =	ssyncset.done $0x0  }
0x15: {  	[sflag:s13] =	ssyncadd.s32 $0xFFFFD800  }
0x16: {  	[tilespmem:s14], [sflag:$0x1] =	stream.strided.gather [hbm4b:s7+s11], $0x1400, s12, s11, $0x38;
	[tilespmem:$0x1F800] =	vst v63  }
0x17: {  	_ =	swait.ge [sflag:s13], $0x1400  }
0x18: {  	[sflag:s13] =	ssyncset.done $0x0  }
0x19: {  	[sflag:s13] =	ssyncadd.s32 $0xFFFFEC00  }
0x1a: {  	[spmem:s16], [sflag:s15] =	dma.local [hbm:s5], $0x2780  }
0x1b: {  	_ =	swait.ge [sflag:s13], $0x2780  }
0x1c: {  	[sflag:s13] =	ssyncset.done $0x0  }
0x1d: {  	[sflag:s13] =	ssyncadd.s32 $0xFFFFD880  }
0x1e: {  	s20 =	simm.s32 $0x0;
	[bflag:$0x0] =	sbarrier.arrive $0xFFFF  }
0x1f: {  	[tilespmem:s18], [sflag:$0x1] =	stream.indirect.gather [hbm4b:s4+s17], $0x80, s20, s17, $0xb8;
	[tilespmem:$0x1F800] =	vst v63  }
0x20: {  	_ =	swait.ge [sflag:s13], $0x8000  }
0x21: {  	[sflag:s13] =	ssyncset.done $0x0  }
0x22: {  	s31 =	simm.s32 $0x2800;
	[sflag:s13] =	ssyncadd.s32 $0xFFFF8000  }
0x23: {  	[spmem:s2] =	stream.indirect.scatter.add.f32 [tilespmem:s18], [sflag:$0x1], $0x80, s31, s17, $0xb8;
	[tilespmem:$0x1F800] =	vst v63  }
0x24: {  	_ =	swait.ge [sflag:s13], $0x8000  }
0x25: {  	s21 =	simm.s32 $0x800;
	s20 =	simm.s32 $0x400;
	[sflag:s13] =	ssyncset.done $0x0  }
.LBB2_2:
0x26: {  	s22 =	sshra.s32 s20, $0x2  }
0x27: {  	[sflag:s13] =	ssyncadd.s32 $0xFFFF8000;
	s20 =	smov.u32 s21;
	s23 =	sadd.s32 $0x400, s21  }
0x28: {  	[tilespmem:s18], [sflag:$0x1] =	stream.indirect.gather [hbm4b:s4+s17], $0x80, s22, s17, $0xb8;
	[tilespmem:$0x1F800] =	vst v63  }
0x29: {  	p0 =	sne.s32 s21, $0x4C00;
	_ =	swait.ge [sflag:s13], $0x8000  }
.Ltmp0:
0x2a: {  	[sflag:s13] =	ssyncset.done $0x0;
	(pc) =	sbr.rel @p0 .LBB2_2-.Ltmp0, $4  }
0x2b: {  	s21 =	sadd.s32 $0x2800, s22;
	[sflag:s13] =	ssyncadd.s32 $0xFFFF8000  }
0x2c: {  	[spmem:s2] =	stream.indirect.scatter.add.f32 [tilespmem:s18], [sflag:$0x1], $0x80, s21, s17, $0xb8;
	[tilespmem:$0x1F800] =	vst v63  }
0x2d: {  	_ =	swait.ge [sflag:s13], $0x8000  }
0x2e: {  	s21 =	smov.u32 s23;
	[sflag:s13] =	ssyncset.done $0x0  }
0x2f: {  	s20 =	sshra.s32 s20, $0x2;
	[sflag:s13] =	ssyncadd.s32 $0xFFFF8000  }
0x30: {  	[tilespmem:s18], [sflag:$0x1] =	stream.indirect.gather [hbm4b:s4+s17], $0x80, s20, s17, $0xb8;
	[tilespmem:$0x1F800] =	vst v63  }
0x31: {  	_ =	swait.ge [sflag:s13], $0x8000  }
0x32: {  	[sflag:s13] =	ssyncset.done $0x0  }
0x33: {  	s20 =	sadd.s32 $0x2800, s20;
	[sflag:s13] =	ssyncadd.s32 $0xFFFF8000  }
0x34: {  	[spmem:s2] =	stream.indirect.scatter.add.f32 [tilespmem:s18], [sflag:$0x1], $0x80, s20, s17, $0xb8;
	[tilespmem:$0x1F800] =	vst v63  }
0x35: {  	_ =	swait.ge [sflag:s13], $0x8000  }
0x36: {  	[sflag:s13] =	ssyncset.done $0x0  }
0x37: {  	[sflag:s13] =	ssyncadd.s32 $0xFFFF8000  }
0x38: {  	[tilespmem:s14], [sflag:$0x1] =	stream.strided.gather [hbm4b:s8+s11], $0x1400, s12, s11, $0x38;
	[tilespmem:$0x1F800] =	vst v63  }
0x39: {  	_ =	swait.ge [sflag:s13], $0x1400  }
0x3a: {  	[sflag:s13] =	ssyncset.done $0x0  }
0x3b: {  	s30 =	simm.s32 $0x1400;
	[sflag:s13] =	ssyncadd.s32 $0xFFFFEC00  }
0x3c: {  	[tilespmem:s18], [sflag:$0x1] =	stream.indirect.gather [hbm4b:s4+s17], $0x80, s30, s17, $0xb8;
	[tilespmem:$0x1F800] =	vst v63  }
0x3d: {  	_ =	swait.ge [sflag:s13], $0x8000  }
0x3e: {  	[sflag:s13] =	ssyncset.done $0x0  }
0x3f: {  	s31 =	simm.s32 $0x2800;
	[sflag:s13] =	ssyncadd.s32 $0xFFFF8000  }
0x40: {  	[spmem:s2] =	stream.indirect.scatter.add.f32 [tilespmem:s18], [sflag:$0x1], $0x80, s31, s17, $0xb8;
	[tilespmem:$0x1F800] =	vst v63  }
0x41: {  	_ =	swait.ge [sflag:s13], $0x8000  }
0x42: {  	s21 =	simm.s32 $0x800;
	s20 =	simm.s32 $0x100;
	[sflag:s13] =	ssyncset.done $0x0  }
.LBB2_4:
0x43: {  	s22 =	sadd.s32 $0x1400, s20  }
0x44: {  	[sflag:s13] =	ssyncadd.s32 $0xFFFF8000;
	s23 =	smov.u32 s21;
	s24 =	sadd.s32 $0x400, s21  }
0x45: {  	[tilespmem:s18], [sflag:$0x1] =	stream.indirect.gather [hbm4b:s4+s17], $0x80, s22, s17, $0xb8;
	[tilespmem:$0x1F800] =	vst v63  }
0x46: {  	p0 =	sne.s32 s21, $0x4C00;
	_ =	swait.ge [sflag:s13], $0x8000  }
.Ltmp1:
0x47: {  	[sflag:s13] =	ssyncset.done $0x0;
	(pc) =	sbr.rel @p0 .LBB2_4-.Ltmp1, $4  }
0x48: {  	s20 =	sadd.s32 $0x2800, s20;
	[sflag:s13] =	ssyncadd.s32 $0xFFFF8000  }
0x49: {  	[spmem:s2] =	stream.indirect.scatter.add.f32 [tilespmem:s18], [sflag:$0x1], $0x80, s20, s17, $0xb8;
	[tilespmem:$0x1F800] =	vst v63  }
0x4a: {  	_ =	swait.ge [sflag:s13], $0x8000  }
0x4b: {  	s21 =	smov.u32 s24;
	s20 =	sshra.s32 s23, $0x2;
	[sflag:s13] =	ssyncset.done $0x0  }
0x4c: {  	s21 =	sadd.s32 $0x1400, s20;
	[sflag:s13] =	ssyncadd.s32 $0xFFFF8000  }
0x4d: {  	[tilespmem:s18], [sflag:$0x1] =	stream.indirect.gather [hbm4b:s4+s17], $0x80, s21, s17, $0xb8;
	[tilespmem:$0x1F800] =	vst v63  }
0x4e: {  	_ =	swait.ge [sflag:s13], $0x8000  }
0x4f: {  	[sflag:s13] =	ssyncset.done $0x0  }
0x50: {  	s31 =	sadd.s32 $0x2800, s20;
	[sflag:s13] =	ssyncadd.s32 $0xFFFF8000  }
0x51: {  	[spmem:s2] =	stream.indirect.scatter.add.f32 [tilespmem:s18], [sflag:$0x1], $0x80, s31, s17, $0xb8;
	[tilespmem:$0x1F800] =	vst v63  }
0x52: {  	_ =	swait.ge [sflag:s13], $0x8000  }
0x53: {  	s19 =	sadd.s32 $0x1, s19;
	[sflag:s13] =	ssyncset.done $0x0  }
0x54: {  	p0 =	sne.s32 s19, s10;
	[sflag:s13] =	ssyncadd.s32 $0xFFFF8000  }
.Ltmp2:
0x55: {  	[bflag:$0x0] =	sbarrier.arrive $0xFFFF;
	(pc) =	sbr.rel @p0 .LBB2_1-.Ltmp2, $4  }
0x56: {  	[hbm:s9], [sflag:s15] =	dma.local [spmem:s16], $0x2780  }
0x57: {  	_ =	swait.ge [sflag:s13], $0x2780  }
0x58: {  	[sflag:s13] =	ssyncset.done $0x0  }
0x59: {  	[sflag:s13] =	ssyncadd.s32 $0xFFFFD880  }
0x5a: {  	_ =	sfence.sel $0x180000  }
0x5b: {  	[bflag:$0x0] =	sbarrier.arrive $0xFFFF  }
0x5c: {  	p0 =	sne.s32 s0, $0x0;
	_ =	strace $0x9000004D  }
0x5d: {  	s0 =	sadd.s32 @!p0 $0x100000, s1;
	[bflag:$0x2] =	sbarrier.arrive $0xFFFF  }
0x5e: {  	[sflag:s0] =	ssyncadd.tile.s32 @!p0 $0x1;
	_ =	shalt  }
.Lfunc_end2:
_tile_overlayer_lowered:
.L_overlay_start_2:
0x5f: {  	(tag) =	ssettag $0x2  }
0x60: {  	s0 =	rddreg [dreg:$0x0];
	s2 =	stileid.u32  }
0x61: {  	s1 =	rddreg [dreg:$0x1];
	p0 =	sne.s32 s2, $0x0  }
0x62: {  	s3 =	rddreg [dreg:$0x2];
	[bflag:$0x3] =	sbarrier.arrive $0xFFFF;
	s2 =	simm.s32 @!p0 $0x1C01  }
0x63: {  	[timem:s3], [sflag:s2] =	dma.local @!p0 [hbm:s0], s1  }
0x64: {  	s0 =	simm.s32 @!p0 $0x1  }
0x65: {  	_ =	swait.ge @!p0 [sflag:s0], s1  }
0x66: {  	s1 =	ssub.s32 @!p0 $0x0, s1;
	[sflag:s0] =	ssyncset.done @!p0 $0x0  }
0x67: {  	[sflag:s0] =	ssyncadd.s32 @!p0 s1  }
0x68: {  	[bflag:$0x3] =	sbarrier.arrive $0xFFFF  }
0x69: {  	_ =	shalt  }

// kernel: kernel.20.cloned.1.call-start
scs
__scs_entry_jumppad:
0x0: {  	(pc) =	sbr.rel $0x88, $3  }
0x1: {  	(tag) =	ssettag $0x0;
	lr =	simm.s32 $0x1  }
0x2: {  	[smem:$0x3F93] =	sst lr;
	_ =	strace $0xD0000000  }
0x3: {  	_ = 	snop  }
0x4: {  	_ = 	snop  }
0x5: {  	_ = 	snop  }
0x6: {  	_ = 	snop  }
0x7: {  	_ = 	snop  }
__scs_overlays_trampoline_lowered:
0x8: {  	[smem:$0x3FA2] =	sst s0  }
0x9: {  	[smem:$0x3FA3] =	sst s1  }
0xa: {  	[smem:$0x3FA4] =	sst s2  }
0xb: {  	[smem:$0x3FA5] =	sst s3  }
0xc: {  	[smem:$0x3FA6] =	sst s4  }
0xd: {  	[smem:$0x3FA7] =	sst s5  }
0xe: {  	[smem:$0x3FA8] =	sst s6  }
0xf: {  	[smem:$0x3FA9] =	sst s7  }
0x10: {  	[smem:$0x3FAA] =	sst s8  }
0x11: {  	[smem:$0x3FAB] =	sst s9;
	s0 =	simm.s32 @!p0 $0x0  }
0x12: {  	s1 =	sld [smem:$0x3F91];
	s0 =	simm.s32 @p0 $0x1  }
0x13: {  	[smem:$0x3FAC] =	sst s0;
	s0 =	simm.s32 @!p1 $0x0  }
0x14: {  	s2 =	sld [smem:$0x3F90];
	s0 =	simm.s32 @p1 $0x1  }
0x15: {  	[smem:$0x3FAD] =	sst s0;
	s0 =	simm.s32 @!p2 $0x0  }
0x16: {  	s3 =	sld [smem:$0x3FDB];
	s0 =	simm.s32 @p2 $0x1  }
0x17: {  	s4 =	simm.s32 $0x1BF5;
	[smem:$0x3FAF] =	sst s0  }
0x18: {  	s0 =	sld [smem:$0x3F92];
	_ =	swait.ge [sflag:s4], $0x0  }
0x19: {  	s7 =	sld [smem:$0x3F93]  }
0x1a: {  	s8 =	sadd.s32 $0xFFFFE003, lr  }
0x1b: {  	s9 =	sadd.s32 $0xFFFFFEF7, lr;
	s5 =	simm.s32 $0xFFFFFFFF;
	p2 =	slt.u32 s8, $0xFFFFF086  }
0x1c: {  	p1 =	slt.u32 s9, $0xF7A;
	s5 =	simm.s32 @!p2 $0x0  }
0x1d: {  	s5 =	simm.s32 @p1 $0x1;
	p0 =	seq.s32 s7, s2  }
0x1e: {  	s7 =	smul.u32 @!p0 $0xF7A, s2;
	p2 =	seq.s32 @!p0 s5, $0x0  }
0x1f: {  	s9 =	smul.u32 $0xF7A, s1;
	s8 =	simm.s32 @!p0 $0x1BF5;
	p2 =	por !p2, p0  }
0x20: {  	[sflag:s8] =	ssyncset.s32 @!p0 $0xFFFFF086;
	s6 =	sadd.s32 @!p0 s3, s7;
	s7 =	simm.s32 @!p0 $0x108  }
0x21: {  	s3 =	sadd.s32 s3, s9;
	s6 =	sadd.s32 @!p0 $0x88, s6;
	s7 =	simm.s32 @p2 $0x1082  }
0x22: {  	[simem:s7], [sflag:s8] =	dma.local @!p0 [hbm:s6], $0xF7A  }
0x23: {  	s9 =	sor.u32 $0xD0000000, s2;
	s6 =	simm.s32 $0x108;
	_ =	swait.ge @!p0 [sflag:s8], $0x0  }
0x24: {  	s3 =	sadd.s32 $0x88, s3;
	s6 =	simm.s32 @!p1 $0x1082;
	[sflag:s4] =	ssyncset.s32 $0xFFFFF086  }
0x25: {  	[simem:s6], [sflag:s4] =	dma.local [hbm:s3], $0xF7A  }
0x26: {  	[smem:$0x3F93] =	sst s1;
	(tag) =	ssettag s2;
	_ =	strace s9  }
0x27: {  	s1 =	sld [smem:$0x3FA3]  }
0x28: {  	s2 =	sld [smem:$0x3FA4]  }
0x29: {  	s4 =	sld [smem:$0x3FA6]  }
0x2a: {  	p0 =	seq.s32 s5, $0x0;
	s5 =	sld [smem:$0x3FA7]  }
0x2b: {  	s6 =	sld [smem:$0x3FA8]  }
0x2c: {  	s7 =	sld [smem:$0x3FA9]  }
0x2d: {  	s3 =	simm.s32 $0x108;
	s8 =	sld [smem:$0x3FAA]  }
0x2e: {  	s3 =	simm.s32 @!p0 $0x1082;
	s9 =	sld [smem:$0x3FAB]  }
0x2f: {  	lr =	sadd.s32 s0, s3;
	s0 =	sld [smem:$0x3FA2]  }
0x30: {  	s3 =	sld [smem:$0x3FA5]  }
0x31: {  	[smem:$0x3FAE] =	sst s10  }
0x32: {  	s10 =	sld [smem:$0x3FAC];
	_ =	sdelay $0x3  }
0x33: {  	p0 =	seq.s32 s10, $0x1;
	s10 =	sld [smem:$0x3FAE];
	_ =	sdelay $0x3  }
0x34: {  	[smem:$0x3FAE] =	sst s10  }
0x35: {  	s10 =	sld [smem:$0x3FAD];
	_ =	sdelay $0x3  }
0x36: {  	p1 =	seq.s32 s10, $0x1;
	s10 =	sld [smem:$0x3FAE];
	_ =	sdelay $0x3  }
0x37: {  	[smem:$0x3FAE] =	sst s10  }
0x38: {  	s10 =	sld [smem:$0x3FAF]  }
0x39: {  	_ = 	snop;
	(pc) =	sbr.ind lr, $3  }
0x3a: {  	_ = 	snop  }
0x3b: {  	_ = 	snop  }
0x3c: {  	p2 =	seq.s32 s10, $0x1;
	s10 =	sld [smem:$0x3FAE]  }
0x3d: {  	_ =	shalt  }
0x3e: {  	_ =	shalt  }
0x3f: {  	_ =	shalt  }
0x40: {  	_ =	shalt  }
0x41: {  	_ =	shalt  }
0x42: {  	_ =	shalt  }
0x43: {  	_ =	shalt  }
0x44: {  	_ =	shalt  }
0x45: {  	_ =	shalt  }
0x46: {  	_ =	shalt  }
0x47: {  	_ =	shalt  }
0x48: {  	_ =	shalt  }
0x49: {  	_ =	shalt  }
0x4a: {  	_ =	shalt  }
0x4b: {  	_ =	shalt  }
0x4c: {  	_ =	shalt  }
0x4d: {  	_ =	shalt  }
0x4e: {  	_ =	shalt  }
0x4f: {  	_ =	shalt  }
0x50: {  	_ =	shalt  }
0x51: {  	_ =	shalt  }
0x52: {  	_ =	shalt  }
0x53: {  	_ =	shalt  }
0x54: {  	_ =	shalt  }
0x55: {  	_ =	shalt  }
0x56: {  	_ =	shalt  }
0x57: {  	_ =	shalt  }
0x58: {  	_ =	shalt  }
0x59: {  	_ =	shalt  }
0x5a: {  	_ =	shalt  }
0x5b: {  	_ =	shalt  }
0x5c: {  	_ =	shalt  }
0x5d: {  	_ =	shalt  }
0x5e: {  	_ =	shalt  }
0x5f: {  	_ =	shalt  }
0x60: {  	_ =	shalt  }
0x61: {  	_ =	shalt  }
0x62: {  	_ =	shalt  }
0x63: {  	_ =	shalt  }
0x64: {  	_ =	shalt  }
0x65: {  	_ =	shalt  }
0x66: {  	_ =	shalt  }
0x67: {  	_ =	shalt  }
0x68: {  	_ =	shalt  }
0x69: {  	_ =	shalt  }
0x6a: {  	_ =	shalt  }
0x6b: {  	_ =	shalt  }
0x6c: {  	_ =	shalt  }
0x6d: {  	_ =	shalt  }
0x6e: {  	_ =	shalt  }
0x6f: {  	_ =	shalt  }
0x70: {  	_ =	shalt  }
0x71: {  	_ =	shalt  }
0x72: {  	_ =	shalt  }
0x73: {  	_ =	shalt  }
0x74: {  	_ =	shalt  }
0x75: {  	_ =	shalt  }
0x76: {  	_ =	shalt  }
0x77: {  	_ =	shalt  }
0x78: {  	_ =	shalt  }
0x79: {  	_ =	shalt  }
0x7a: {  	_ =	shalt  }
0x7b: {  	_ =	shalt  }
0x7c: {  	_ =	shalt  }
0x7d: {  	_ =	shalt  }
0x7e: {  	_ =	shalt  }
0x7f: {  	_ =	shalt  }
0x80: {  	_ =	shalt  }
0x81: {  	_ =	shalt  }
0x82: {  	_ =	shalt  }
0x83: {  	_ =	shalt  }
0x84: {  	_ =	shalt  }
0x85: {  	_ =	shalt  }
0x86: {  	_ =	shalt  }
0x87: {  	_ =	shalt  }
.Lfunc_end0:
.L_simem_size_0:
called_computation.3_lowered:
.L_overlay_start_0:
0x88: {  	s2 =	sld [smem:$0x3FD9]  }
0x89: {  	s3 =	sld [smem:$0x3FFE];
	_ =	sdelay $0x1  }
0x8a: {  	s1 =	srdreg.scid  }
0x8b: {  	s0 =	sand.u32 $0x1, s1  }
0x8c: {  	s16 =	sshll.u32 s0, $0xA;
	s2 =	sadd.s32 s3, s2  }
0x8d: {  	s2 =	sadd.s32 s2, s16  }
0x8e: {  	[smem:$0x3FBA] =	sst s2  }
0x8f: {  	_ = 	snop  }
0x90: {  	(tm) =	ssettm $0x1  }
0x91: {  	s17 =	sld [smem:$0x3FFB];
	_ =	sdelay $0x3  }
0x92: {  	_ =	strace s17  }
0x93: {  	s2 =	sld [smem:$0x3FFC];
	_ =	sdelay $0x3  }
0x94: {  	_ =	strace s2  }
0x95: {  	s2 =	sld [smem:$0x3FFD];
	_ =	sdelay $0x3  }
0x96: {  	_ =	strace s2  }
0x97: {  	_ =	strace $0x8FFFFFFF  }
0x98: {  	s18 =	sld [smem:$0x3FDB];
	_ =	sdelay $0x1  }
0x99: {  	s19 =	simm.s32 $_scs_section_size  }
0x9a: {  	s4 =	simm.s32 $_size__tile_overlayer_lowered;
	s5 =	simm.s32 $_tile_overlayer_lowered  }
0x9b: {  	s22 =	simm.s32 $0x1BFF;
	s21 =	sshll.u32 s5, $0x1;
	s2 =	sadd.s32 s19, s18  }
0x9c: {  	s6 =	simm.s32 $0x0;
	s20 =	sshll.u32 s4, $0x1;
	s4 =	sadd.s32 s21, s2  }
0x9d: {  	[timem:s6], [sflag:s22] =	dma.local [hbm:s4], s20  }
0x9e: {  	_ =	swait.ge [sflag:s22], s20  }
0x9f: {  	s3 =	ssub.s32 $0x0, s20;
	[sflag:s22] =	ssyncset.done $0x0  }
0xa0: {  	[sflag:s22] =	ssyncadd.s32 s3;
	_ =	sdelay $0x1  }
0xa1: {  	s23 =	simm.s32 $0x1B8B  }
0xa2: {  	_ =	swait.ge [sflag:s23], $0x1  }
0xa3: {  	[sflag:s23] =	ssyncset.done $0x0  }
0xa4: {  	s25 =	simm.s32 $0x1B8E;
	s24 =	sld [smem:$0x3FFE];
	[sflag:s23] =	ssyncadd.s32 $0xFFFFFFFF  }
0xa5: {  	s26 =	simm.s32 $execute0_lowered;
	[smem:$0x3FD2] =	sst s25  }
0xa6: {  	s4 =	sshll.u32 s26, $0x1;
	_ =	strace $0x8000004F;
	[dreg:$0x1] =	wrdreg $0xFFFFFFFF  }
0xa7: {  	s28 =	simm.s32 $_size_execute0_lowered;
	s2 =	sadd.s32 s2, s4;
	[dreg:$0x0] =	wrdreg $0x0  }
0xa8: {  	s4 =	sshll.u32 s28, $0x1;
	[dreg:$0x2] =	wrdreg s2  }
0xa9: {  	[dreg:$0x3] =	wrdreg s4  }
0xaa: {  	[dreg:$0x4] =	wrdreg $0xC0  }
0xab: {  	_ =	task [dreg:s6], $0x5FFFF  }
0xac: {  	[dreg:$0x1] =	wrdreg $0xFFFFFFFF  }
0xad: {  	[dreg:$0x0] =	wrdreg $0x60  }
0xae: {  	[dreg:$0x2] =	wrdreg s24  }
0xaf: {  	[dreg:$0x3] =	wrdreg $0xBC000  }
0xb0: {  	[dreg:$0x4] =	wrdreg $0x9  }
0xb1: {  	_ =	task.clear_ibuf [dreg:s6], $0x5FFFF;
	_ =	strace $0x9000004F  }
0xb2: {  	s29 =	simm.s32 $0x9;
	_ =	strace $0x80000051  }
0xb3: {  	_ =	swait.ge [sflag:s29], $0x1  }
0xb4: {  	[sflag:s29] =	ssyncadd.s32 $0xFFFFFFFF  }
0xb5: {  	_ =	strace $0x90000051  }
0xb6: {  	_ =	sfence  }
0xb7: {  	s30 =	sld [smem:$0x0];
	_ =	sdelay $0x2  }
0xb8: {  	s31 =	sshll.u32 s1, $0xD;
	s1 =	sshrl.u32 s1, $0x2  }
0xb9: {  	s3 =	sand.u32 $0x4000, s31;
	s1 =	sadd.s32 s1, s30  }
0xba: {  	s0 =	sor.u32 s3, s0;
	s1 =	sshll.u32 s1, $0x11  }
0xbb: {  	s0 =	sor.u32 s1, s0  }
0xbc: {  	s0 =	sadd.s32 $0x8F2B, s0  }
0xbd: {  	[sflag:s0] =	ssyncadd.remote.s32 $0x1  }
0xbe: {  	_ =	sfence.sel $0xFFFF  }
0xbf: {  	[dreg:$0x0] =	wrdreg $0xFFFFFFFF;
	(pc) =	sbr.abs _section_cstart, $3  }
0xc0: {  	[dreg:$0x1] =	wrdreg $0xFFFFFFFF  }
0xc1: {  	_ =	task.clear_ibuf [dreg:s6], $0x2FFFF;
	_ =	strace $0x9FFFFFFF  }
0xc2: {  	(tm) =	ssettm $0x7FFFFFFF  }
0xc3: {  	_ =	shalt  }
tec
execute0_lowered:
.L_overlay_start_1:
0x0: {  	(tag) =	ssettag $0x1  }
0x1: {  	s7 =	rddreg [dreg:$0x0]  }
0x2: {  	s0 =	srdreg.scid;
	s2 =	rddreg [dreg:$0x1];
	s3 =	simm.s32 $0x0  }
0x3: {  	s17 =	simm.s32 $0x100;
	s18 =	simm.s32 $0x3C00;
	s19 =	simm.s32 $0x0  }
0x4: {  	s6 =	sand.u32 $0x1, s0;
	s0 =	stileid.u32;
	[smem:$0x7FF] =	sst s3  }
0x5: {  	s13 =	sadd.s32 $0xD800, s7;
	s1 =	sshll.u32 s6, $0x4;
	s9 =	smul.u32 $0x13C000, s6  }
0x6: {  	s5 =	sshll.u32 s0, $0x7;
	s11 =	smul.u32 $0x13C00, s0;
	s6 =	ssub.s32 $0x2, s6  }
0x7: {  	s14 =	smul.u32 $0x4F000, s0;
	s15 =	sshll.u32 s0, $0x6;
	s1 =	sor.u32 s0, s1  }
0x8: {  	s5 =	sand.u32 $0x380, s5;
	s28 =	sshrl.u32 s6, $0x1;
	s15 =	sor.u32 $0x1C01, s15  }
0x9: {  	s1 =	sshrl.u32 s1, $0x3;
	s9 =	sadd.s32 s11, s9;
	s11 =	ssub.s32 s6, s28  }
0xa: {  	s30 =	sshrl.u32 s14, $0x2;
	s14 =	simm.s32 $0x2800;
	s4 =	smul.u32 $0x14000, s1  }
0xb: {  	s1 =	rddreg [dreg:$0x2];
	s9 =	sshrl.u32 s9, $0x3;
	s16 =	sadd.s32 s30, s2  }
0xc: {  	_ =	strace $0x80000050;
	s9 =	sadd.s32 s9, s7;
	s16 =	sshrl.u32 s16, $0x3  }
0xd: {  	s8 =	sor.u32 s5, s4;
	s4 =	sadd.s32 $0x17800, s7;
	s5 =	sadd.s32 $0x3EA00, s7  }
0xe: {  	s9 =	sadd.s32 $0x41200, s9;
	s10 =	sshrl.u32 s8, $0x3;
	s29 =	sadd.s32 $0xA000, s8  }
0xf: {  	s12 =	sadd.s32 s10, s7;
	s31 =	sshrl.u32 s29, $0x3;
	s7 =	sadd.s32 s13, s10  }
0x10: {  	s10 =	smax.u32 s11, $0x1;
	s11 =	simm.s32 $0x80;
	s6 =	sadd.s32 $0x3800, s12  }
0x11: {  	s8 =	sadd.s32 s13, s31;
	s12 =	simm.s32 $0x400;
	s13 =	simm.s32 $0x1  }
.LBB2_1:
0x12: {  	[tilespmem:s3], [sflag:$0x1] =	stream.strided.gather [hbm4b:s6+s11], $0x2800, s12, s11, $0x38;
	[tilespmem:$0x1F800] =	vst v63  }
0x13: {  	_ =	swait.ge [sflag:s13], $0x2800  }
0x14: {  	[sflag:s13] =	ssyncset.done $0x0  }
0x15: {  	[sflag:s13] =	ssyncadd.s32 $0xFFFFD800  }
0x16: {  	[tilespmem:s14], [sflag:$0x1] =	stream.strided.gather [hbm4b:s7+s11], $0x1400, s12, s11, $0x38;
	[tilespmem:$0x1F800] =	vst v63  }
0x17: {  	_ =	swait.ge [sflag:s13], $0x1400  }
0x18: {  	[sflag:s13] =	ssyncset.done $0x0  }
0x19: {  	[sflag:s13] =	ssyncadd.s32 $0xFFFFEC00  }
0x1a: {  	[spmem:s16], [sflag:s15] =	dma.local [hbm:s5], $0x2780  }
0x1b: {  	_ =	swait.ge [sflag:s13], $0x2780  }
0x1c: {  	[sflag:s13] =	ssyncset.done $0x0  }
0x1d: {  	[sflag:s13] =	ssyncadd.s32 $0xFFFFD880  }
0x1e: {  	s20 =	simm.s32 $0x0;
	[bflag:$0x0] =	sbarrier.arrive $0xFFFF  }
0x1f: {  	[tilespmem:s18], [sflag:$0x1] =	stream.indirect.gather [hbm4b:s4+s17], $0x80, s20, s17, $0xb8;
	[tilespmem:$0x1F800] =	vst v63  }
0x20: {  	_ =	swait.ge [sflag:s13], $0x8000  }
0x21: {  	[sflag:s13] =	ssyncset.done $0x0  }
0x22: {  	s31 =	simm.s32 $0x2800;
	[sflag:s13] =	ssyncadd.s32 $0xFFFF8000  }
0x23: {  	[spmem:s2] =	stream.indirect.scatter.add.f32 [tilespmem:s18], [sflag:$0x1], $0x80, s31, s17, $0xb8;
	[tilespmem:$0x1F800] =	vst v63  }
0x24: {  	_ =	swait.ge [sflag:s13], $0x8000  }
0x25: {  	s21 =	simm.s32 $0x800;
	s20 =	simm.s32 $0x400;
	[sflag:s13] =	ssyncset.done $0x0  }
.LBB2_2:
0x26: {  	s22 =	sshra.s32 s20, $0x2  }
0x27: {  	[sflag:s13] =	ssyncadd.s32 $0xFFFF8000;
	s20 =	smov.u32 s21;
	s23 =	sadd.s32 $0x400, s21  }
0x28: {  	[tilespmem:s18], [sflag:$0x1] =	stream.indirect.gather [hbm4b:s4+s17], $0x80, s22, s17, $0xb8;
	[tilespmem:$0x1F800] =	vst v63  }
0x29: {  	p0 =	sne.s32 s21, $0x4C00;
	_ =	swait.ge [sflag:s13], $0x8000  }
.Ltmp0:
0x2a: {  	[sflag:s13] =	ssyncset.done $0x0;
	(pc) =	sbr.rel @p0 .LBB2_2-.Ltmp0, $4  }
0x2b: {  	s21 =	sadd.s32 $0x2800, s22;
	[sflag:s13] =	ssyncadd.s32 $0xFFFF8000  }
0x2c: {  	[spmem:s2] =	stream.indirect.scatter.add.f32 [tilespmem:s18], [sflag:$0x1], $0x80, s21, s17, $0xb8;
	[tilespmem:$0x1F800] =	vst v63  }
0x2d: {  	_ =	swait.ge [sflag:s13], $0x8000  }
0x2e: {  	s21 =	smov.u32 s23;
	[sflag:s13] =	ssyncset.done $0x0  }
0x2f: {  	s20 =	sshra.s32 s20, $0x2;
	[sflag:s13] =	ssyncadd.s32 $0xFFFF8000  }
0x30: {  	[tilespmem:s18], [sflag:$0x1] =	stream.indirect.gather [hbm4b:s4+s17], $0x80, s20, s17, $0xb8;
	[tilespmem:$0x1F800] =	vst v63  }
0x31: {  	_ =	swait.ge [sflag:s13], $0x8000  }
0x32: {  	[sflag:s13] =	ssyncset.done $0x0  }
0x33: {  	s20 =	sadd.s32 $0x2800, s20;
	[sflag:s13] =	ssyncadd.s32 $0xFFFF8000  }
0x34: {  	[spmem:s2] =	stream.indirect.scatter.add.f32 [tilespmem:s18], [sflag:$0x1], $0x80, s20, s17, $0xb8;
	[tilespmem:$0x1F800] =	vst v63  }
0x35: {  	_ =	swait.ge [sflag:s13], $0x8000  }
0x36: {  	[sflag:s13] =	ssyncset.done $0x0  }
0x37: {  	[sflag:s13] =	ssyncadd.s32 $0xFFFF8000  }
0x38: {  	[tilespmem:s14], [sflag:$0x1] =	stream.strided.gather [hbm4b:s8+s11], $0x1400, s12, s11, $0x38;
	[tilespmem:$0x1F800] =	vst v63  }
0x39: {  	_ =	swait.ge [sflag:s13], $0x1400  }
0x3a: {  	[sflag:s13] =	ssyncset.done $0x0  }
0x3b: {  	s30 =	simm.s32 $0x1400;
	[sflag:s13] =	ssyncadd.s32 $0xFFFFEC00  }
0x3c: {  	[tilespmem:s18], [sflag:$0x1] =	stream.indirect.gather [hbm4b:s4+s17], $0x80, s30, s17, $0xb8;
	[tilespmem:$0x1F800] =	vst v63  }
0x3d: {  	_ =	swait.ge [sflag:s13], $0x8000  }
0x3e: {  	[sflag:s13] =	ssyncset.done $0x0  }
0x3f: {  	s31 =	simm.s32 $0x2800;
	[sflag:s13] =	ssyncadd.s32 $0xFFFF8000  }
0x40: {  	[spmem:s2] =	stream.indirect.scatter.add.f32 [tilespmem:s18], [sflag:$0x1], $0x80, s31, s17, $0xb8;
	[tilespmem:$0x1F800] =	vst v63  }
0x41: {  	_ =	swait.ge [sflag:s13], $0x8000  }
0x42: {  	s21 =	simm.s32 $0x800;
	s20 =	simm.s32 $0x100;
	[sflag:s13] =	ssyncset.done $0x0  }
.LBB2_4:
0x43: {  	s22 =	sadd.s32 $0x1400, s20  }
0x44: {  	[sflag:s13] =	ssyncadd.s32 $0xFFFF8000;
	s23 =	smov.u32 s21;
	s24 =	sadd.s32 $0x400, s21  }
0x45: {  	[tilespmem:s18], [sflag:$0x1] =	stream.indirect.gather [hbm4b:s4+s17], $0x80, s22, s17, $0xb8;
	[tilespmem:$0x1F800] =	vst v63  }
0x46: {  	p0 =	sne.s32 s21, $0x4C00;
	_ =	swait.ge [sflag:s13], $0x8000  }
.Ltmp1:
0x47: {  	[sflag:s13] =	ssyncset.done $0x0;
	(pc) =	sbr.rel @p0 .LBB2_4-.Ltmp1, $4  }
0x48: {  	s20 =	sadd.s32 $0x2800, s20;
	[sflag:s13] =	ssyncadd.s32 $0xFFFF8000  }
0x49: {  	[spmem:s2] =	stream.indirect.scatter.add.f32 [tilespmem:s18], [sflag:$0x1], $0x80, s20, s17, $0xb8;
	[tilespmem:$0x1F800] =	vst v63  }
0x4a: {  	_ =	swait.ge [sflag:s13], $0x8000  }
0x4b: {  	s21 =	smov.u32 s24;
	s20 =	sshra.s32 s23, $0x2;
	[sflag:s13] =	ssyncset.done $0x0  }
0x4c: {  	s21 =	sadd.s32 $0x1400, s20;
	[sflag:s13] =	ssyncadd.s32 $0xFFFF8000  }
0x4d: {  	[tilespmem:s18], [sflag:$0x1] =	stream.indirect.gather [hbm4b:s4+s17], $0x80, s21, s17, $0xb8;
	[tilespmem:$0x1F800] =	vst v63  }
0x4e: {  	_ =	swait.ge [sflag:s13], $0x8000  }
0x4f: {  	[sflag:s13] =	ssyncset.done $0x0  }
0x50: {  	s31 =	sadd.s32 $0x2800, s20;
	[sflag:s13] =	ssyncadd.s32 $0xFFFF8000  }
0x51: {  	[spmem:s2] =	stream.indirect.scatter.add.f32 [tilespmem:s18], [sflag:$0x1], $0x80, s31, s17, $0xb8;
	[tilespmem:$0x1F800] =	vst v63  }
0x52: {  	_ =	swait.ge [sflag:s13], $0x8000  }
0x53: {  	s19 =	sadd.s32 $0x1, s19;
	[sflag:s13] =	ssyncset.done $0x0  }
0x54: {  	p0 =	sne.s32 s19, s10;
	[sflag:s13] =	ssyncadd.s32 $0xFFFF8000  }
.Ltmp2:
0x55: {  	[bflag:$0x0] =	sbarrier.arrive $0xFFFF;
	(pc) =	sbr.rel @p0 .LBB2_1-.Ltmp2, $4  }
0x56: {  	[hbm:s9], [sflag:s15] =	dma.local [spmem:s16], $0x2780  }
0x57: {  	_ =	swait.ge [sflag:s13], $0x2780  }
0x58: {  	[sflag:s13] =	ssyncset.done $0x0  }
0x59: {  	[sflag:s13] =	ssyncadd.s32 $0xFFFFD880  }
0x5a: {  	_ =	sfence.sel $0x180000  }
0x5b: {  	[bflag:$0x0] =	sbarrier.arrive $0xFFFF  }
0x5c: {  	p0 =	sne.s32 s0, $0x0;
	_ =	strace $0x90000050  }
0x5d: {  	s0 =	sadd.s32 @!p0 $0x100000, s1;
	[bflag:$0x2] =	sbarrier.arrive $0xFFFF  }
0x5e: {  	[sflag:s0] =	ssyncadd.tile.s32 @!p0 $0x1;
	_ =	shalt  }
.Lfunc_end2:
_tile_overlayer_lowered:
.L_overlay_start_2:
0x5f: {  	(tag) =	ssettag $0x2  }
0x60: {  	s0 =	rddreg [dreg:$0x0];
	s2 =	stileid.u32  }
0x61: {  	s1 =	rddreg [dreg:$0x1];
	p0 =	sne.s32 s2, $0x0  }
0x62: {  	s3 =	rddreg [dreg:$0x2];
	[bflag:$0x3] =	sbarrier.arrive $0xFFFF;
	s2 =	simm.s32 @!p0 $0x1C01  }
0x63: {  	[timem:s3], [sflag:s2] =	dma.local @!p0 [hbm:s0], s1  }
0x64: {  	s0 =	simm.s32 @!p0 $0x1  }
0x65: {  	_ =	swait.ge @!p0 [sflag:s0], s1  }
0x66: {  	s1 =	ssub.s32 @!p0 $0x0, s1;
	[sflag:s0] =	ssyncset.done @!p0 $0x0  }
0x67: {  	[sflag:s0] =	ssyncadd.s32 @!p0 s1  }
0x68: {  	[bflag:$0x3] =	sbarrier.arrive $0xFFFF  }
0x69: {  	_ =	shalt  }

</sc_bundles>
